<compile_context>
chip_gen: v7x
topology: tpu7x:2x2x1
jax: 0.10.2.dev20260603
libtpu: 0.0.44.dev20260713+nightly
codegen_flags: <defaults>
</compile_context>

<pallas_src>
import functools
import math

import jax
import jax.numpy as jnp
from jax import lax
from jax.experimental import pallas as pl
from jax.experimental.pallas import tpu as pltpu
from jax.experimental.pallas import tpu_sc as plsc

NC = 2
NS = 16
NW = NC * NS

SUB = 100
KSUB = 8
C = SUB * KSUB


def _sc_embed(n_rows, d, seq):
  chunks = n_rows // (NW * C)
  assert chunks * NW * C == n_rows
  mesh = plsc.VectorSubcoreMesh(core_axis_name="c", subcore_axis_name="s")

  @functools.partial(
      pl.kernel,
      out_type=jax.ShapeDtypeStruct((n_rows, d), jnp.float32),
      mesh=mesh,
      scratch_types=[
          pltpu.VMEM((KSUB, SUB), jnp.int32),
          pltpu.VMEM((C, d), jnp.float32),
          pltpu.VMEM((seq, d), jnp.float32),
          pltpu.SemaphoreType.DMA,
      ],
      compiler_params=pltpu.CompilerParams(use_tc_tiling_on_sc=False),
  )
  def body(x_hbm, pe_hbm, w_hbm, out_hbm, idx_v, rows_v, pe_v, gsem):
    wid = lax.axis_index("s") * NC + lax.axis_index("c")
    scale = float(math.sqrt(d))

    pltpu.sync_copy(pe_hbm, pe_v)

    @pl.loop(0, chunks)
    def chunk_loop(g):
      row0 = pl.multiple_of((wid * chunks + g) * C, C)

      pltpu.sync_copy(x_hbm.at[pl.ds(pl.multiple_of(row0 // SUB, KSUB), KSUB)], idx_v)

      cps = [
          pltpu.async_copy(
              w_hbm.at[idx_v.at[k]],
              rows_v.at[pl.ds(k * SUB, SUB)],
              gsem,
          )
          for k in range(KSUB)
      ]
      for cp in cps:
        cp.wait()

      for t in range(C // seq):
        @pl.loop(0, seq)
        def row_loop(r, t=t):
          for j in range(d // 16):
            sl = pl.ds(j * 16, 16)
            rr = t * seq + r
            rows_v[rr, sl] = rows_v[rr, sl] * scale + pe_v[r, sl]

      pltpu.sync_copy(rows_v, out_hbm.at[pl.ds(row0, C)])

  return body


def kernel(x, weight, pe, timestep):
  batch, seq = x.shape
  d = weight.shape[1]
  n_rows = batch * seq
  pe_sl = lax.dynamic_slice_in_dim(pe, timestep, seq, axis=0)
  x2d = x.reshape(n_rows // SUB, SUB).astype(jnp.int32)
  out = _sc_embed(n_rows, d, seq)(x2d, pe_sl, weight)
  return out.reshape(batch, seq, d)

# --- scband reference (transcript-rebuilt; emitter-appended) ---
"""Pipeline reference for scband-embedding-7335804142396 (READ-ONLY COPY).

The authoritative reference and input builder live on the scoring server;
editing this copy changes nothing except your own understanding.
"""

import math
import jax, jax.numpy as jnp
import numpy as np

VOCAB = 1000000
DIM = 64
BATCH = 4096
SEQ = 200
PAD_IDX = 0
MAX_LEN = 1000


def positional_encoding(embedding_dim, max_len=MAX_LEN):
    pe = np.zeros((max_len, embedding_dim), dtype=np.float32)
    position = np.arange(max_len, dtype=np.float32)[:, None]
    div_term = np.exp(np.arange(0, embedding_dim, 2, dtype=np.float32) * -(math.log(10000.0) / embedding_dim))
    pe[:, 0::2] = np.sin(position * div_term)
    pe[:, 1::2] = np.cos(position * div_term)
    return jnp.asarray(pe)


def setup_inputs(seed: int = 0) -> dict:
    key = jax.random.key(seed)
    k_idx, k_w = jax.random.split(key)
    x = jax.random.randint(k_idx, (BATCH, SEQ), 0, VOCAB)
    # embedding table init: normal(mean=0, std=dim**-0.5), padding row zeroed
    weight = jax.random.normal(k_w, (VOCAB, DIM), dtype=jnp.float32) * (DIM ** -0.5)
    weight = weight.at[PAD_IDX].set(0.0)
    pe = positional_encoding(DIM)
    return {"x": x, "weight": weight, "pe": pe, "timestep": 0}


def reference(x, weight, pe, timestep=0):
    d = weight.shape[1]
    emb = jnp.take(weight, x, axis=0) * (d ** 0.5)
    emb = emb + jax.lax.dynamic_slice_in_dim(pe, timestep, x.shape[1], axis=0)
    # dropout p=0 -> identity
    return emb

if __name__ == "__main__":
    import jax
    _d = setup_inputs()
    print(jax.jit(kernel)(*tuple(_d.values())))

</pallas_src>

<mosaic_0001>
#map = affine_map<(d0, d1) -> (0, 0)>
module attributes {stable_mosaic.version = 14 : i64} {
  func.func @body(%arg0: i32, %arg1: i32, %arg2: memref<8192x100xi32, #tpu.memory_space<hbm>>, %arg3: memref<200x64xf32, #tpu.memory_space<hbm>>, %arg4: memref<1000000x64xf32, #tpu.memory_space<hbm>>, %arg5: memref<819200x64xf32, #tpu.memory_space<hbm>>, %arg6: memref<8x100xi32, #tpu.memory_space<vmem>>, %arg7: memref<800x64xf32, #tpu.memory_space<vmem>>, %arg8: memref<200x64xf32, #tpu.memory_space<vmem>>, %arg9: memref<!tpu.dma_semaphore, #tpu.memory_space<semaphore_mem>>) attributes {dimension_semantics = [#tpu.dimension_semantics<core_parallel>, #tpu.dimension_semantics<subcore_parallel>], iteration_bounds = array<i64: 2, 16>, scalar_prefetch = 0 : i64, scratch_operands = 4 : i64, tpu.core_type = #tpu.core_type<sc_vector_subcore>, window_params = [{transform_indices = #map}, {transform_indices = #map}, {transform_indices = #map}, {transform_indices = #map}]} {
    %mul3A = arith.constant 2 : i32
    %mul3A_0 = arith.muli %arg1, %mul3A : i32
    %add3A = arith.addi %mul3A_0, %arg0 : i32
    "tpu.region"() ({
      %run_scoped3A = tpu.sem_alloc : memref<!tpu.dma_semaphore, #tpu.memory_space<semaphore_mem>>
      tpu.enqueue_dma source(%arg3 : memref<200x64xf32, #tpu.memory_space<hbm>>) target(%arg8 : memref<200x64xf32, #tpu.memory_space<vmem>>) target_semaphore(%run_scoped3A : memref<!tpu.dma_semaphore, #tpu.memory_space<semaphore_mem>>)
      tpu.wait_dma2 semaphore(%run_scoped3A : memref<!tpu.dma_semaphore, #tpu.memory_space<semaphore_mem>>) src(%arg3 : memref<200x64xf32, #tpu.memory_space<hbm>>) dst(%arg8 : memref<200x64xf32, #tpu.memory_space<vmem>>)
      tpu.yield
    }) : () -> ()
    %scan3A = arith.constant 0 : i32
    %scan3A_1 = arith.constant 32 : i32
    %scan3A_2 = arith.addi %scan3A, %scan3A_1 : i32
    %scan3A_3 = arith.constant 1 : i32
    scf.for %scan3A_5 = %scan3A to %scan3A_2 step %scan3A_3  : i32 {
      %mul3A_6 = arith.constant 1 : i32
      %mul3A_7 = arith.muli %scan3A_5, %mul3A_6 : i32
      %add3A_8 = arith.constant 0 : i32
      %add3A_9 = arith.addi %add3A_8, %mul3A_7 : i32
      %mul3A_10 = arith.constant 32 : i32
      %mul3A_11 = arith.muli %add3A, %mul3A_10 : i32
      %add3A_12 = arith.addi %mul3A_11, %add3A_9 : i32
      %mul3A_13 = arith.constant 800 : i32
      %mul3A_14 = arith.muli %add3A_12, %mul3A_13 : i32
      %multiple_of3A = tpu.assume_multiple %mul3A_14, 800 : i32
      %jit3A = arith.constant 100 : i32
      %div3A = arith.divsi %multiple_of3A, %jit3A : i32
      %sign3A = arith.constant 0 : i32
      %sign3A_15 = arith.cmpi sgt, %multiple_of3A, %sign3A : i32
      %sign3A_16 = arith.extui %sign3A_15 : i1 to i32
      %sign3A_17 = arith.constant 0 : i32
      %sign3A_18 = arith.cmpi slt, %multiple_of3A, %sign3A_17 : i32
      %sign3A_19 = arith.extui %sign3A_18 : i1 to i32
      %sign3A_20 = arith.subi %sign3A_16, %sign3A_19 : i32
      %sign3A_21 = arith.constant 0 : i32
      %sign3A_22 = arith.cmpi sgt, %jit3A, %sign3A_21 : i32
      %sign3A_23 = arith.extui %sign3A_22 : i1 to i32
      %sign3A_24 = arith.constant 0 : i32
      %sign3A_25 = arith.cmpi slt, %jit3A, %sign3A_24 : i32
      %sign3A_26 = arith.extui %sign3A_25 : i1 to i32
      %sign3A_27 = arith.subi %sign3A_23, %sign3A_26 : i32
      %ne3A = arith.cmpi ne, %sign3A_20, %sign3A_27 : i32
      %rem3A = arith.remsi %multiple_of3A, %jit3A : i32
      %ne3A_28 = arith.constant 0 : i32
      %ne3A_29 = arith.cmpi ne, %rem3A, %ne3A_28 : i32
      %and3A = arith.andi %ne3A, %ne3A_29 : i1
      %sub3A = arith.constant 1 : i32
      %sub3A_30 = arith.subi %div3A, %sub3A : i32
      %select_n3A = arith.select %and3A, %sub3A_30, %div3A : i32
      %multiple_of3A_31 = tpu.assume_multiple %select_n3A, 8 : i32
      "tpu.region"() ({
        %run_scoped3A = tpu.sem_alloc : memref<!tpu.dma_semaphore, #tpu.memory_space<semaphore_mem>>
        %dma_start3A_210 = arith.constant 0 : i32
        %dma_start3A_211 = tpu.memref_slice %arg2[%multiple_of3A_31, %dma_start3A_210] : memref<8192x100xi32, #tpu.memory_space<hbm>> -> memref<8x100xi32, #tpu.memory_space<hbm>>
        %dma_start3A_212 = arith.constant 0 : i32
        %dma_start3A_213 = tpu.memref_slice %arg2[%multiple_of3A_31, %dma_start3A_212] : memref<8192x100xi32, #tpu.memory_space<hbm>> -> memref<8x100xi32, #tpu.memory_space<hbm>>
        tpu.enqueue_dma source(%dma_start3A_213 : memref<8x100xi32, #tpu.memory_space<hbm>>) target(%arg6 : memref<8x100xi32, #tpu.memory_space<vmem>>) target_semaphore(%run_scoped3A : memref<!tpu.dma_semaphore, #tpu.memory_space<semaphore_mem>>)
        %dma_wait3A_214 = arith.constant 0 : i32
        %dma_wait3A_215 = tpu.memref_slice %arg2[%multiple_of3A_31, %dma_wait3A_214] : memref<8192x100xi32, #tpu.memory_space<hbm>> -> memref<8x100xi32, #tpu.memory_space<hbm>>
        %dma_wait3A_216 = arith.constant 0 : i32
        %dma_wait3A_217 = tpu.memref_slice %arg2[%multiple_of3A_31, %dma_wait3A_216] : memref<8192x100xi32, #tpu.memory_space<hbm>> -> memref<8x100xi32, #tpu.memory_space<hbm>>
        tpu.wait_dma2 semaphore(%run_scoped3A : memref<!tpu.dma_semaphore, #tpu.memory_space<semaphore_mem>>) src(%dma_wait3A_217 : memref<8x100xi32, #tpu.memory_space<hbm>>) dst(%arg6 : memref<8x100xi32, #tpu.memory_space<vmem>>)
        tpu.yield
      }) : () -> ()
      %dma_start3A = arith.constant 0 : i32
      %dma_start3A_32 = arith.constant 0 : i32
      %dma_start3A_33 = arith.constant 0 : i32
      %dma_start3A_34 = tpu.memref_slice %arg7[%dma_start3A_32, %dma_start3A_33] : memref<800x64xf32, #tpu.memory_space<vmem>> -> memref<100x64xf32, #tpu.memory_space<vmem>>
      %dma_start3A_35 = arith.constant 0 : i32
      %dma_start3A_36 = tpu.memref_slice %arg6[%dma_start3A, %dma_start3A_35] : memref<8x100xi32, #tpu.memory_space<vmem>> -> memref<1x100xi32, #tpu.memory_space<vmem>>
      %dma_start3A_37 = tpu.memref_squeeze %dma_start3A_36 : memref<1x100xi32, #tpu.memory_space<vmem>> -> memref<100xi32, #tpu.memory_space<vmem>>
      %dma_start3A_38 = arith.constant 0 : i32
      %dma_start3A_39 = arith.constant 0 : i32
      %dma_start3A_40 = tpu.memref_slice %arg4[%dma_start3A_38, %dma_start3A_39] : memref<1000000x64xf32, #tpu.memory_space<hbm>> -> memref<1000000x64xf32, #tpu.memory_space<hbm>>
      tpu.enqueue_indirect_dma source(%dma_start3A_40 : memref<1000000x64xf32, #tpu.memory_space<hbm>>) target(%dma_start3A_34 : memref<100x64xf32, #tpu.memory_space<vmem>>) offsets(%dma_start3A_37 : memref<100xi32, #tpu.memory_space<vmem>>) semaphore(%arg9 : memref<!tpu.dma_semaphore, #tpu.memory_space<semaphore_mem>>)
      %dma_start3A_41 = arith.constant 1 : i32
      %dma_start3A_42 = arith.constant 100 : i32
      %dma_start3A_43 = arith.constant 0 : i32
      %dma_start3A_44 = tpu.memref_slice %arg7[%dma_start3A_42, %dma_start3A_43] : memref<800x64xf32, #tpu.memory_space<vmem>> -> memref<100x64xf32, #tpu.memory_space<vmem>>
      %dma_start3A_45 = arith.constant 0 : i32
      %dma_start3A_46 = tpu.memref_slice %arg6[%dma_start3A_41, %dma_start3A_45] : memref<8x100xi32, #tpu.memory_space<vmem>> -> memref<1x100xi32, #tpu.memory_space<vmem>>
      %dma_start3A_47 = tpu.memref_squeeze %dma_start3A_46 : memref<1x100xi32, #tpu.memory_space<vmem>> -> memref<100xi32, #tpu.memory_space<vmem>>
      %dma_start3A_48 = arith.constant 0 : i32
      %dma_start3A_49 = arith.constant 0 : i32
      %dma_start3A_50 = tpu.memref_slice %arg4[%dma_start3A_48, %dma_start3A_49] : memref<1000000x64xf32, #tpu.memory_space<hbm>> -> memref<1000000x64xf32, #tpu.memory_space<hbm>>
      tpu.enqueue_indirect_dma source(%dma_start3A_50 : memref<1000000x64xf32, #tpu.memory_space<hbm>>) target(%dma_start3A_44 : memref<100x64xf32, #tpu.memory_space<vmem>>) offsets(%dma_start3A_47 : memref<100xi32, #tpu.memory_space<vmem>>) semaphore(%arg9 : memref<!tpu.dma_semaphore, #tpu.memory_space<semaphore_mem>>)
      %dma_start3A_51 = arith.constant 2 : i32
      %dma_start3A_52 = arith.constant 200 : i32
      %dma_start3A_53 = arith.constant 0 : i32
      %dma_start3A_54 = tpu.memref_slice %arg7[%dma_start3A_52, %dma_start3A_53] : memref<800x64xf32, #tpu.memory_space<vmem>> -> memref<100x64xf32, #tpu.memory_space<vmem>>
      %dma_start3A_55 = arith.constant 0 : i32
      %dma_start3A_56 = tpu.memref_slice %arg6[%dma_start3A_51, %dma_start3A_55] : memref<8x100xi32, #tpu.memory_space<vmem>> -> memref<1x100xi32, #tpu.memory_space<vmem>>
      %dma_start3A_57 = tpu.memref_squeeze %dma_start3A_56 : memref<1x100xi32, #tpu.memory_space<vmem>> -> memref<100xi32, #tpu.memory_space<vmem>>
      %dma_start3A_58 = arith.constant 0 : i32
      %dma_start3A_59 = arith.constant 0 : i32
      %dma_start3A_60 = tpu.memref_slice %arg4[%dma_start3A_58, %dma_start3A_59] : memref<1000000x64xf32, #tpu.memory_space<hbm>> -> memref<1000000x64xf32, #tpu.memory_space<hbm>>
      tpu.enqueue_indirect_dma source(%dma_start3A_60 : memref<1000000x64xf32, #tpu.memory_space<hbm>>) target(%dma_start3A_54 : memref<100x64xf32, #tpu.memory_space<vmem>>) offsets(%dma_start3A_57 : memref<100xi32, #tpu.memory_space<vmem>>) semaphore(%arg9 : memref<!tpu.dma_semaphore, #tpu.memory_space<semaphore_mem>>)
      %dma_start3A_61 = arith.constant 3 : i32
      %dma_start3A_62 = arith.constant 300 : i32
      %dma_start3A_63 = arith.constant 0 : i32
      %dma_start3A_64 = tpu.memref_slice %arg7[%dma_start3A_62, %dma_start3A_63] : memref<800x64xf32, #tpu.memory_space<vmem>> -> memref<100x64xf32, #tpu.memory_space<vmem>>
      %dma_start3A_65 = arith.constant 0 : i32
      %dma_start3A_66 = tpu.memref_slice %arg6[%dma_start3A_61, %dma_start3A_65] : memref<8x100xi32, #tpu.memory_space<vmem>> -> memref<1x100xi32, #tpu.memory_space<vmem>>
      %dma_start3A_67 = tpu.memref_squeeze %dma_start3A_66 : memref<1x100xi32, #tpu.memory_space<vmem>> -> memref<100xi32, #tpu.memory_space<vmem>>
      %dma_start3A_68 = arith.constant 0 : i32
      %dma_start3A_69 = arith.constant 0 : i32
      %dma_start3A_70 = tpu.memref_slice %arg4[%dma_start3A_68, %dma_start3A_69] : memref<1000000x64xf32, #tpu.memory_space<hbm>> -> memref<1000000x64xf32, #tpu.memory_space<hbm>>
      tpu.enqueue_indirect_dma source(%dma_start3A_70 : memref<1000000x64xf32, #tpu.memory_space<hbm>>) target(%dma_start3A_64 : memref<100x64xf32, #tpu.memory_space<vmem>>) offsets(%dma_start3A_67 : memref<100xi32, #tpu.memory_space<vmem>>) semaphore(%arg9 : memref<!tpu.dma_semaphore, #tpu.memory_space<semaphore_mem>>)
      %dma_start3A_71 = arith.constant 4 : i32
      %dma_start3A_72 = arith.constant 400 : i32
      %dma_start3A_73 = arith.constant 0 : i32
      %dma_start3A_74 = tpu.memref_slice %arg7[%dma_start3A_72, %dma_start3A_73] : memref<800x64xf32, #tpu.memory_space<vmem>> -> memref<100x64xf32, #tpu.memory_space<vmem>>
      %dma_start3A_75 = arith.constant 0 : i32
      %dma_start3A_76 = tpu.memref_slice %arg6[%dma_start3A_71, %dma_start3A_75] : memref<8x100xi32, #tpu.memory_space<vmem>> -> memref<1x100xi32, #tpu.memory_space<vmem>>
      %dma_start3A_77 = tpu.memref_squeeze %dma_start3A_76 : memref<1x100xi32, #tpu.memory_space<vmem>> -> memref<100xi32, #tpu.memory_space<vmem>>
      %dma_start3A_78 = arith.constant 0 : i32
      %dma_start3A_79 = arith.constant 0 : i32
      %dma_start3A_80 = tpu.memref_slice %arg4[%dma_start3A_78, %dma_start3A_79] : memref<1000000x64xf32, #tpu.memory_space<hbm>> -> memref<1000000x64xf32, #tpu.memory_space<hbm>>
      tpu.enqueue_indirect_dma source(%dma_start3A_80 : memref<1000000x64xf32, #tpu.memory_space<hbm>>) target(%dma_start3A_74 : memref<100x64xf32, #tpu.memory_space<vmem>>) offsets(%dma_start3A_77 : memref<100xi32, #tpu.memory_space<vmem>>) semaphore(%arg9 : memref<!tpu.dma_semaphore, #tpu.memory_space<semaphore_mem>>)
      %dma_start3A_81 = arith.constant 5 : i32
      %dma_start3A_82 = arith.constant 500 : i32
      %dma_start3A_83 = arith.constant 0 : i32
      %dma_start3A_84 = tpu.memref_slice %arg7[%dma_start3A_82, %dma_start3A_83] : memref<800x64xf32, #tpu.memory_space<vmem>> -> memref<100x64xf32, #tpu.memory_space<vmem>>
      %dma_start3A_85 = arith.constant 0 : i32
      %dma_start3A_86 = tpu.memref_slice %arg6[%dma_start3A_81, %dma_start3A_85] : memref<8x100xi32, #tpu.memory_space<vmem>> -> memref<1x100xi32, #tpu.memory_space<vmem>>
      %dma_start3A_87 = tpu.memref_squeeze %dma_start3A_86 : memref<1x100xi32, #tpu.memory_space<vmem>> -> memref<100xi32, #tpu.memory_space<vmem>>
      %dma_start3A_88 = arith.constant 0 : i32
      %dma_start3A_89 = arith.constant 0 : i32
      %dma_start3A_90 = tpu.memref_slice %arg4[%dma_start3A_88, %dma_start3A_89] : memref<1000000x64xf32, #tpu.memory_space<hbm>> -> memref<1000000x64xf32, #tpu.memory_space<hbm>>
      tpu.enqueue_indirect_dma source(%dma_start3A_90 : memref<1000000x64xf32, #tpu.memory_space<hbm>>) target(%dma_start3A_84 : memref<100x64xf32, #tpu.memory_space<vmem>>) offsets(%dma_start3A_87 : memref<100xi32, #tpu.memory_space<vmem>>) semaphore(%arg9 : memref<!tpu.dma_semaphore, #tpu.memory_space<semaphore_mem>>)
      %dma_start3A_91 = arith.constant 6 : i32
      %dma_start3A_92 = arith.constant 600 : i32
      %dma_start3A_93 = arith.constant 0 : i32
      %dma_start3A_94 = tpu.memref_slice %arg7[%dma_start3A_92, %dma_start3A_93] : memref<800x64xf32, #tpu.memory_space<vmem>> -> memref<100x64xf32, #tpu.memory_space<vmem>>
      %dma_start3A_95 = arith.constant 0 : i32
      %dma_start3A_96 = tpu.memref_slice %arg6[%dma_start3A_91, %dma_start3A_95] : memref<8x100xi32, #tpu.memory_space<vmem>> -> memref<1x100xi32, #tpu.memory_space<vmem>>
      %dma_start3A_97 = tpu.memref_squeeze %dma_start3A_96 : memref<1x100xi32, #tpu.memory_space<vmem>> -> memref<100xi32, #tpu.memory_space<vmem>>
      %dma_start3A_98 = arith.constant 0 : i32
      %dma_start3A_99 = arith.constant 0 : i32
      %dma_start3A_100 = tpu.memref_slice %arg4[%dma_start3A_98, %dma_start3A_99] : memref<1000000x64xf32, #tpu.memory_space<hbm>> -> memref<1000000x64xf32, #tpu.memory_space<hbm>>
      tpu.enqueue_indirect_dma source(%dma_start3A_100 : memref<1000000x64xf32, #tpu.memory_space<hbm>>) target(%dma_start3A_94 : memref<100x64xf32, #tpu.memory_space<vmem>>) offsets(%dma_start3A_97 : memref<100xi32, #tpu.memory_space<vmem>>) semaphore(%arg9 : memref<!tpu.dma_semaphore, #tpu.memory_space<semaphore_mem>>)
      %dma_start3A_101 = arith.constant 7 : i32
      %dma_start3A_102 = arith.constant 700 : i32
      %dma_start3A_103 = arith.constant 0 : i32
      %dma_start3A_104 = tpu.memref_slice %arg7[%dma_start3A_102, %dma_start3A_103] : memref<800x64xf32, #tpu.memory_space<vmem>> -> memref<100x64xf32, #tpu.memory_space<vmem>>
      %dma_start3A_105 = arith.constant 0 : i32
      %dma_start3A_106 = tpu.memref_slice %arg6[%dma_start3A_101, %dma_start3A_105] : memref<8x100xi32, #tpu.memory_space<vmem>> -> memref<1x100xi32, #tpu.memory_space<vmem>>
      %dma_start3A_107 = tpu.memref_squeeze %dma_start3A_106 : memref<1x100xi32, #tpu.memory_space<vmem>> -> memref<100xi32, #tpu.memory_space<vmem>>
      %dma_start3A_108 = arith.constant 0 : i32
      %dma_start3A_109 = arith.constant 0 : i32
      %dma_start3A_110 = tpu.memref_slice %arg4[%dma_start3A_108, %dma_start3A_109] : memref<1000000x64xf32, #tpu.memory_space<hbm>> -> memref<1000000x64xf32, #tpu.memory_space<hbm>>
      tpu.enqueue_indirect_dma source(%dma_start3A_110 : memref<1000000x64xf32, #tpu.memory_space<hbm>>) target(%dma_start3A_104 : memref<100x64xf32, #tpu.memory_space<vmem>>) offsets(%dma_start3A_107 : memref<100xi32, #tpu.memory_space<vmem>>) semaphore(%arg9 : memref<!tpu.dma_semaphore, #tpu.memory_space<semaphore_mem>>)
      %dma_wait3A = arith.constant 0 : i32
      %dma_wait3A_111 = arith.constant 0 : i32
      %dma_wait3A_112 = arith.constant 0 : i32
      %dma_wait3A_113 = tpu.memref_slice %arg7[%dma_wait3A_111, %dma_wait3A_112] : memref<800x64xf32, #tpu.memory_space<vmem>> -> memref<100x64xf32, #tpu.memory_space<vmem>>
      %dma_wait3A_114 = arith.constant 0 : i32
      %dma_wait3A_115 = tpu.memref_slice %arg6[%dma_wait3A, %dma_wait3A_114] : memref<8x100xi32, #tpu.memory_space<vmem>> -> memref<1x100xi32, #tpu.memory_space<vmem>>
      %dma_wait3A_116 = tpu.memref_squeeze %dma_wait3A_115 : memref<1x100xi32, #tpu.memory_space<vmem>> -> memref<100xi32, #tpu.memory_space<vmem>>
      %dma_wait3A_117 = arith.constant 0 : i32
      %dma_wait3A_118 = arith.constant 0 : i32
      %dma_wait3A_119 = tpu.memref_slice %arg4[%dma_wait3A_117, %dma_wait3A_118] : memref<1000000x64xf32, #tpu.memory_space<hbm>> -> memref<1000000x64xf32, #tpu.memory_space<hbm>>
      tpu.wait_indirect_dma semaphore(%arg9 : memref<!tpu.dma_semaphore, #tpu.memory_space<semaphore_mem>>) src(%dma_wait3A_119 : memref<1000000x64xf32, #tpu.memory_space<hbm>>) dst(%dma_wait3A_113 : memref<100x64xf32, #tpu.memory_space<vmem>>)
      %dma_wait3A_120 = arith.constant 1 : i32
      %dma_wait3A_121 = arith.constant 100 : i32
      %dma_wait3A_122 = arith.constant 0 : i32
      %dma_wait3A_123 = tpu.memref_slice %arg7[%dma_wait3A_121, %dma_wait3A_122] : memref<800x64xf32, #tpu.memory_space<vmem>> -> memref<100x64xf32, #tpu.memory_space<vmem>>
      %dma_wait3A_124 = arith.constant 0 : i32
      %dma_wait3A_125 = tpu.memref_slice %arg6[%dma_wait3A_120, %dma_wait3A_124] : memref<8x100xi32, #tpu.memory_space<vmem>> -> memref<1x100xi32, #tpu.memory_space<vmem>>
      %dma_wait3A_126 = tpu.memref_squeeze %dma_wait3A_125 : memref<1x100xi32, #tpu.memory_space<vmem>> -> memref<100xi32, #tpu.memory_space<vmem>>
      %dma_wait3A_127 = arith.constant 0 : i32
      %dma_wait3A_128 = arith.constant 0 : i32
      %dma_wait3A_129 = tpu.memref_slice %arg4[%dma_wait3A_127, %dma_wait3A_128] : memref<1000000x64xf32, #tpu.memory_space<hbm>> -> memref<1000000x64xf32, #tpu.memory_space<hbm>>
      tpu.wait_indirect_dma semaphore(%arg9 : memref<!tpu.dma_semaphore, #tpu.memory_space<semaphore_mem>>) src(%dma_wait3A_129 : memref<1000000x64xf32, #tpu.memory_space<hbm>>) dst(%dma_wait3A_123 : memref<100x64xf32, #tpu.memory_space<vmem>>)
      %dma_wait3A_130 = arith.constant 2 : i32
      %dma_wait3A_131 = arith.constant 200 : i32
      %dma_wait3A_132 = arith.constant 0 : i32
      %dma_wait3A_133 = tpu.memref_slice %arg7[%dma_wait3A_131, %dma_wait3A_132] : memref<800x64xf32, #tpu.memory_space<vmem>> -> memref<100x64xf32, #tpu.memory_space<vmem>>
      %dma_wait3A_134 = arith.constant 0 : i32
      %dma_wait3A_135 = tpu.memref_slice %arg6[%dma_wait3A_130, %dma_wait3A_134] : memref<8x100xi32, #tpu.memory_space<vmem>> -> memref<1x100xi32, #tpu.memory_space<vmem>>
      %dma_wait3A_136 = tpu.memref_squeeze %dma_wait3A_135 : memref<1x100xi32, #tpu.memory_space<vmem>> -> memref<100xi32, #tpu.memory_space<vmem>>
      %dma_wait3A_137 = arith.constant 0 : i32
      %dma_wait3A_138 = arith.constant 0 : i32
      %dma_wait3A_139 = tpu.memref_slice %arg4[%dma_wait3A_137, %dma_wait3A_138] : memref<1000000x64xf32, #tpu.memory_space<hbm>> -> memref<1000000x64xf32, #tpu.memory_space<hbm>>
      tpu.wait_indirect_dma semaphore(%arg9 : memref<!tpu.dma_semaphore, #tpu.memory_space<semaphore_mem>>) src(%dma_wait3A_139 : memref<1000000x64xf32, #tpu.memory_space<hbm>>) dst(%dma_wait3A_133 : memref<100x64xf32, #tpu.memory_space<vmem>>)
      %dma_wait3A_140 = arith.constant 3 : i32
      %dma_wait3A_141 = arith.constant 300 : i32
      %dma_wait3A_142 = arith.constant 0 : i32
      %dma_wait3A_143 = tpu.memref_slice %arg7[%dma_wait3A_141, %dma_wait3A_142] : memref<800x64xf32, #tpu.memory_space<vmem>> -> memref<100x64xf32, #tpu.memory_space<vmem>>
      %dma_wait3A_144 = arith.constant 0 : i32
      %dma_wait3A_145 = tpu.memref_slice %arg6[%dma_wait3A_140, %dma_wait3A_144] : memref<8x100xi32, #tpu.memory_space<vmem>> -> memref<1x100xi32, #tpu.memory_space<vmem>>
      %dma_wait3A_146 = tpu.memref_squeeze %dma_wait3A_145 : memref<1x100xi32, #tpu.memory_space<vmem>> -> memref<100xi32, #tpu.memory_space<vmem>>
      %dma_wait3A_147 = arith.constant 0 : i32
      %dma_wait3A_148 = arith.constant 0 : i32
      %dma_wait3A_149 = tpu.memref_slice %arg4[%dma_wait3A_147, %dma_wait3A_148] : memref<1000000x64xf32, #tpu.memory_space<hbm>> -> memref<1000000x64xf32, #tpu.memory_space<hbm>>
      tpu.wait_indirect_dma semaphore(%arg9 : memref<!tpu.dma_semaphore, #tpu.memory_space<semaphore_mem>>) src(%dma_wait3A_149 : memref<1000000x64xf32, #tpu.memory_space<hbm>>) dst(%dma_wait3A_143 : memref<100x64xf32, #tpu.memory_space<vmem>>)
      %dma_wait3A_150 = arith.constant 4 : i32
      %dma_wait3A_151 = arith.constant 400 : i32
      %dma_wait3A_152 = arith.constant 0 : i32
      %dma_wait3A_153 = tpu.memref_slice %arg7[%dma_wait3A_151, %dma_wait3A_152] : memref<800x64xf32, #tpu.memory_space<vmem>> -> memref<100x64xf32, #tpu.memory_space<vmem>>
      %dma_wait3A_154 = arith.constant 0 : i32
      %dma_wait3A_155 = tpu.memref_slice %arg6[%dma_wait3A_150, %dma_wait3A_154] : memref<8x100xi32, #tpu.memory_space<vmem>> -> memref<1x100xi32, #tpu.memory_space<vmem>>
      %dma_wait3A_156 = tpu.memref_squeeze %dma_wait3A_155 : memref<1x100xi32, #tpu.memory_space<vmem>> -> memref<100xi32, #tpu.memory_space<vmem>>
      %dma_wait3A_157 = arith.constant 0 : i32
      %dma_wait3A_158 = arith.constant 0 : i32
      %dma_wait3A_159 = tpu.memref_slice %arg4[%dma_wait3A_157, %dma_wait3A_158] : memref<1000000x64xf32, #tpu.memory_space<hbm>> -> memref<1000000x64xf32, #tpu.memory_space<hbm>>
      tpu.wait_indirect_dma semaphore(%arg9 : memref<!tpu.dma_semaphore, #tpu.memory_space<semaphore_mem>>) src(%dma_wait3A_159 : memref<1000000x64xf32, #tpu.memory_space<hbm>>) dst(%dma_wait3A_153 : memref<100x64xf32, #tpu.memory_space<vmem>>)
      %dma_wait3A_160 = arith.constant 5 : i32
      %dma_wait3A_161 = arith.constant 500 : i32
      %dma_wait3A_162 = arith.constant 0 : i32
      %dma_wait3A_163 = tpu.memref_slice %arg7[%dma_wait3A_161, %dma_wait3A_162] : memref<800x64xf32, #tpu.memory_space<vmem>> -> memref<100x64xf32, #tpu.memory_space<vmem>>
      %dma_wait3A_164 = arith.constant 0 : i32
      %dma_wait3A_165 = tpu.memref_slice %arg6[%dma_wait3A_160, %dma_wait3A_164] : memref<8x100xi32, #tpu.memory_space<vmem>> -> memref<1x100xi32, #tpu.memory_space<vmem>>
      %dma_wait3A_166 = tpu.memref_squeeze %dma_wait3A_165 : memref<1x100xi32, #tpu.memory_space<vmem>> -> memref<100xi32, #tpu.memory_space<vmem>>
      %dma_wait3A_167 = arith.constant 0 : i32
      %dma_wait3A_168 = arith.constant 0 : i32
      %dma_wait3A_169 = tpu.memref_slice %arg4[%dma_wait3A_167, %dma_wait3A_168] : memref<1000000x64xf32, #tpu.memory_space<hbm>> -> memref<1000000x64xf32, #tpu.memory_space<hbm>>
      tpu.wait_indirect_dma semaphore(%arg9 : memref<!tpu.dma_semaphore, #tpu.memory_space<semaphore_mem>>) src(%dma_wait3A_169 : memref<1000000x64xf32, #tpu.memory_space<hbm>>) dst(%dma_wait3A_163 : memref<100x64xf32, #tpu.memory_space<vmem>>)
      %dma_wait3A_170 = arith.constant 6 : i32
      %dma_wait3A_171 = arith.constant 600 : i32
      %dma_wait3A_172 = arith.constant 0 : i32
      %dma_wait3A_173 = tpu.memref_slice %arg7[%dma_wait3A_171, %dma_wait3A_172] : memref<800x64xf32, #tpu.memory_space<vmem>> -> memref<100x64xf32, #tpu.memory_space<vmem>>
      %dma_wait3A_174 = arith.constant 0 : i32
      %dma_wait3A_175 = tpu.memref_slice %arg6[%dma_wait3A_170, %dma_wait3A_174] : memref<8x100xi32, #tpu.memory_space<vmem>> -> memref<1x100xi32, #tpu.memory_space<vmem>>
      %dma_wait3A_176 = tpu.memref_squeeze %dma_wait3A_175 : memref<1x100xi32, #tpu.memory_space<vmem>> -> memref<100xi32, #tpu.memory_space<vmem>>
      %dma_wait3A_177 = arith.constant 0 : i32
      %dma_wait3A_178 = arith.constant 0 : i32
      %dma_wait3A_179 = tpu.memref_slice %arg4[%dma_wait3A_177, %dma_wait3A_178] : memref<1000000x64xf32, #tpu.memory_space<hbm>> -> memref<1000000x64xf32, #tpu.memory_space<hbm>>
      tpu.wait_indirect_dma semaphore(%arg9 : memref<!tpu.dma_semaphore, #tpu.memory_space<semaphore_mem>>) src(%dma_wait3A_179 : memref<1000000x64xf32, #tpu.memory_space<hbm>>) dst(%dma_wait3A_173 : memref<100x64xf32, #tpu.memory_space<vmem>>)
      %dma_wait3A_180 = arith.constant 7 : i32
      %dma_wait3A_181 = arith.constant 700 : i32
      %dma_wait3A_182 = arith.constant 0 : i32
      %dma_wait3A_183 = tpu.memref_slice %arg7[%dma_wait3A_181, %dma_wait3A_182] : memref<800x64xf32, #tpu.memory_space<vmem>> -> memref<100x64xf32, #tpu.memory_space<vmem>>
      %dma_wait3A_184 = arith.constant 0 : i32
      %dma_wait3A_185 = tpu.memref_slice %arg6[%dma_wait3A_180, %dma_wait3A_184] : memref<8x100xi32, #tpu.memory_space<vmem>> -> memref<1x100xi32, #tpu.memory_space<vmem>>
      %dma_wait3A_186 = tpu.memref_squeeze %dma_wait3A_185 : memref<1x100xi32, #tpu.memory_space<vmem>> -> memref<100xi32, #tpu.memory_space<vmem>>
      %dma_wait3A_187 = arith.constant 0 : i32
      %dma_wait3A_188 = arith.constant 0 : i32
      %dma_wait3A_189 = tpu.memref_slice %arg4[%dma_wait3A_187, %dma_wait3A_188] : memref<1000000x64xf32, #tpu.memory_space<hbm>> -> memref<1000000x64xf32, #tpu.memory_space<hbm>>
      tpu.wait_indirect_dma semaphore(%arg9 : memref<!tpu.dma_semaphore, #tpu.memory_space<semaphore_mem>>) src(%dma_wait3A_189 : memref<1000000x64xf32, #tpu.memory_space<hbm>>) dst(%dma_wait3A_183 : memref<100x64xf32, #tpu.memory_space<vmem>>)
      %scan3A_190 = arith.constant 0 : i32
      %scan3A_191 = arith.constant 200 : i32
      %scan3A_192 = arith.addi %scan3A_190, %scan3A_191 : i32
      %scan3A_193 = arith.constant 1 : i32
      scf.for %scan3A_210 = %scan3A_190 to %scan3A_192 step %scan3A_193  : i32 {
        %mul3A_211 = arith.constant 1 : i32
        %mul3A_212 = arith.muli %scan3A_210, %mul3A_211 : i32
        %add3A_213 = arith.constant 0 : i32
        %add3A_214 = arith.addi %add3A_213, %mul3A_212 : i32
        %add3A_215 = arith.constant 0 : i32
        %add3A_216 = arith.addi %add3A_215, %add3A_214 : i32
        %get3A = arith.index_cast %add3A_216 : i32 to index
        %get3A_217 = arith.constant 0 : index
        %get3A_218 = tpu.vector_load %arg7[%get3A, %get3A_217] {strides = array<i32>} : memref<800x64xf32, #tpu.memory_space<vmem>>, vector<1x16xf32>,
        %get3A_219 = vector.shape_cast %get3A_218 : vector<1x16xf32> to vector<16xf32>
        %mul3A_220 = arith.constant 8.000000e+00 : f32
        %mul3A_221 = vector.broadcast %mul3A_220 : f32 to vector<16xf32>
        %mul3A_222 = arith.mulf %get3A_219, %mul3A_221 : vector<16xf32>
        %get3A_223 = arith.index_cast %add3A_214 : i32 to index
        %get3A_224 = arith.constant 0 : index
        %get3A_225 = tpu.vector_load %arg8[%get3A_223, %get3A_224] {strides = array<i32>} : memref<200x64xf32, #tpu.memory_space<vmem>>, vector<1x16xf32>,
        %get3A_226 = vector.shape_cast %get3A_225 : vector<1x16xf32> to vector<16xf32>
        %add3A_227 = arith.addf %mul3A_222, %get3A_226 : vector<16xf32>
        %swap3A = arith.index_cast %add3A_216 : i32 to index
        %swap3A_228 = arith.constant 0 : index
        %swap3A_229 = tpu.vector_load %arg7[%swap3A, %swap3A_228] {strides = array<i32>} : memref<800x64xf32, #tpu.memory_space<vmem>>, vector<1x16xf32>,
        %swap3A_230 = vector.shape_cast %swap3A_229 : vector<1x16xf32> to vector<16xf32>
        %swap3A_231 = vector.shape_cast %add3A_227 : vector<16xf32> to vector<1x16xf32>
        tpu.vector_store %arg7[%swap3A, %swap3A_228], %swap3A_231 {strides = array<i32>} : memref<800x64xf32, #tpu.memory_space<vmem>>, vector<1x16xf32>,
        %add3A_232 = arith.constant 0 : i32
        %add3A_233 = arith.addi %add3A_232, %add3A_214 : i32
        %get3A_234 = arith.index_cast %add3A_233 : i32 to index
        %get3A_235 = arith.constant 16 : index
        %get3A_236 = tpu.vector_load %arg7[%get3A_234, %get3A_235] {strides = array<i32>} : memref<800x64xf32, #tpu.memory_space<vmem>>, vector<1x16xf32>,
        %get3A_237 = vector.shape_cast %get3A_236 : vector<1x16xf32> to vector<16xf32>
        %mul3A_238 = arith.constant 8.000000e+00 : f32
        %mul3A_239 = vector.broadcast %mul3A_238 : f32 to vector<16xf32>
        %mul3A_240 = arith.mulf %get3A_237, %mul3A_239 : vector<16xf32>
        %get3A_241 = arith.index_cast %add3A_214 : i32 to index
        %get3A_242 = arith.constant 16 : index
        %get3A_243 = tpu.vector_load %arg8[%get3A_241, %get3A_242] {strides = array<i32>} : memref<200x64xf32, #tpu.memory_space<vmem>>, vector<1x16xf32>,
        %get3A_244 = vector.shape_cast %get3A_243 : vector<1x16xf32> to vector<16xf32>
        %add3A_245 = arith.addf %mul3A_240, %get3A_244 : vector<16xf32>
        %swap3A_246 = arith.index_cast %add3A_233 : i32 to index
        %swap3A_247 = arith.constant 16 : index
        %swap3A_248 = tpu.vector_load %arg7[%swap3A_246, %swap3A_247] {strides = array<i32>} : memref<800x64xf32, #tpu.memory_space<vmem>>, vector<1x16xf32>,
        %swap3A_249 = vector.shape_cast %swap3A_248 : vector<1x16xf32> to vector<16xf32>
        %swap3A_250 = vector.shape_cast %add3A_245 : vector<16xf32> to vector<1x16xf32>
        tpu.vector_store %arg7[%swap3A_246, %swap3A_247], %swap3A_250 {strides = array<i32>} : memref<800x64xf32, #tpu.memory_space<vmem>>, vector<1x16xf32>,
        %add3A_251 = arith.constant 0 : i32
        %add3A_252 = arith.addi %add3A_251, %add3A_214 : i32
        %get3A_253 = arith.index_cast %add3A_252 : i32 to index
        %get3A_254 = arith.constant 32 : index
        %get3A_255 = tpu.vector_load %arg7[%get3A_253, %get3A_254] {strides = array<i32>} : memref<800x64xf32, #tpu.memory_space<vmem>>, vector<1x16xf32>,
        %get3A_256 = vector.shape_cast %get3A_255 : vector<1x16xf32> to vector<16xf32>
        %mul3A_257 = arith.constant 8.000000e+00 : f32
        %mul3A_258 = vector.broadcast %mul3A_257 : f32 to vector<16xf32>
        %mul3A_259 = arith.mulf %get3A_256, %mul3A_258 : vector<16xf32>
        %get3A_260 = arith.index_cast %add3A_214 : i32 to index
        %get3A_261 = arith.constant 32 : index
        %get3A_262 = tpu.vector_load %arg8[%get3A_260, %get3A_261] {strides = array<i32>} : memref<200x64xf32, #tpu.memory_space<vmem>>, vector<1x16xf32>,
        %get3A_263 = vector.shape_cast %get3A_262 : vector<1x16xf32> to vector<16xf32>
        %add3A_264 = arith.addf %mul3A_259, %get3A_263 : vector<16xf32>
        %swap3A_265 = arith.index_cast %add3A_252 : i32 to index
        %swap3A_266 = arith.constant 32 : index
        %swap3A_267 = tpu.vector_load %arg7[%swap3A_265, %swap3A_266] {strides = array<i32>} : memref<800x64xf32, #tpu.memory_space<vmem>>, vector<1x16xf32>,
        %swap3A_268 = vector.shape_cast %swap3A_267 : vector<1x16xf32> to vector<16xf32>
        %swap3A_269 = vector.shape_cast %add3A_264 : vector<16xf32> to vector<1x16xf32>
        tpu.vector_store %arg7[%swap3A_265, %swap3A_266], %swap3A_269 {strides = array<i32>} : memref<800x64xf32, #tpu.memory_space<vmem>>, vector<1x16xf32>,
        %add3A_270 = arith.constant 0 : i32
        %add3A_271 = arith.addi %add3A_270, %add3A_214 : i32
        %get3A_272 = arith.index_cast %add3A_271 : i32 to index
        %get3A_273 = arith.constant 48 : index
        %get3A_274 = tpu.vector_load %arg7[%get3A_272, %get3A_273] {strides = array<i32>} : memref<800x64xf32, #tpu.memory_space<vmem>>, vector<1x16xf32>,
        %get3A_275 = vector.shape_cast %get3A_274 : vector<1x16xf32> to vector<16xf32>
        %mul3A_276 = arith.constant 8.000000e+00 : f32
        %mul3A_277 = vector.broadcast %mul3A_276 : f32 to vector<16xf32>
        %mul3A_278 = arith.mulf %get3A_275, %mul3A_277 : vector<16xf32>
        %get3A_279 = arith.index_cast %add3A_214 : i32 to index
        %get3A_280 = arith.constant 48 : index
        %get3A_281 = tpu.vector_load %arg8[%get3A_279, %get3A_280] {strides = array<i32>} : memref<200x64xf32, #tpu.memory_space<vmem>>, vector<1x16xf32>,
        %get3A_282 = vector.shape_cast %get3A_281 : vector<1x16xf32> to vector<16xf32>
        %add3A_283 = arith.addf %mul3A_278, %get3A_282 : vector<16xf32>
        %swap3A_284 = arith.index_cast %add3A_271 : i32 to index
        %swap3A_285 = arith.constant 48 : index
        %swap3A_286 = tpu.vector_load %arg7[%swap3A_284, %swap3A_285] {strides = array<i32>} : memref<800x64xf32, #tpu.memory_space<vmem>>, vector<1x16xf32>,
        %swap3A_287 = vector.shape_cast %swap3A_286 : vector<1x16xf32> to vector<16xf32>
        %swap3A_288 = vector.shape_cast %add3A_283 : vector<16xf32> to vector<1x16xf32>
        tpu.vector_store %arg7[%swap3A_284, %swap3A_285], %swap3A_288 {strides = array<i32>} : memref<800x64xf32, #tpu.memory_space<vmem>>, vector<1x16xf32>,
      }
      %scan3A_194 = arith.constant 200 : i32
      %scan3A_195 = arith.constant 0 : i32
      %scan3A_196 = arith.constant 200 : i32
      %scan3A_197 = arith.addi %scan3A_195, %scan3A_196 : i32
      %scan3A_198 = arith.constant 1 : i32
      scf.for %scan3A_210 = %scan3A_195 to %scan3A_197 step %scan3A_198  : i32 {
        %mul3A_211 = arith.constant 1 : i32
        %mul3A_212 = arith.muli %scan3A_210, %mul3A_211 : i32
        %add3A_213 = arith.constant 0 : i32
        %add3A_214 = arith.addi %add3A_213, %mul3A_212 : i32
        %add3A_215 = arith.constant 200 : i32
        %add3A_216 = arith.addi %add3A_215, %add3A_214 : i32
        %get3A = arith.index_cast %add3A_216 : i32 to index
        %get3A_217 = arith.constant 0 : index
        %get3A_218 = tpu.vector_load %arg7[%get3A, %get3A_217] {strides = array<i32>} : memref<800x64xf32, #tpu.memory_space<vmem>>, vector<1x16xf32>,
        %get3A_219 = vector.shape_cast %get3A_218 : vector<1x16xf32> to vector<16xf32>
        %mul3A_220 = arith.constant 8.000000e+00 : f32
        %mul3A_221 = vector.broadcast %mul3A_220 : f32 to vector<16xf32>
        %mul3A_222 = arith.mulf %get3A_219, %mul3A_221 : vector<16xf32>
        %get3A_223 = arith.index_cast %add3A_214 : i32 to index
        %get3A_224 = arith.constant 0 : index
        %get3A_225 = tpu.vector_load %arg8[%get3A_223, %get3A_224] {strides = array<i32>} : memref<200x64xf32, #tpu.memory_space<vmem>>, vector<1x16xf32>,
        %get3A_226 = vector.shape_cast %get3A_225 : vector<1x16xf32> to vector<16xf32>
        %add3A_227 = arith.addf %mul3A_222, %get3A_226 : vector<16xf32>
        %swap3A = arith.index_cast %add3A_216 : i32 to index
        %swap3A_228 = arith.constant 0 : index
        %swap3A_229 = tpu.vector_load %arg7[%swap3A, %swap3A_228] {strides = array<i32>} : memref<800x64xf32, #tpu.memory_space<vmem>>, vector<1x16xf32>,
        %swap3A_230 = vector.shape_cast %swap3A_229 : vector<1x16xf32> to vector<16xf32>
        %swap3A_231 = vector.shape_cast %add3A_227 : vector<16xf32> to vector<1x16xf32>
        tpu.vector_store %arg7[%swap3A, %swap3A_228], %swap3A_231 {strides = array<i32>} : memref<800x64xf32, #tpu.memory_space<vmem>>, vector<1x16xf32>,
        %add3A_232 = arith.constant 200 : i32
        %add3A_233 = arith.addi %add3A_232, %add3A_214 : i32
        %get3A_234 = arith.index_cast %add3A_233 : i32 to index
        %get3A_235 = arith.constant 16 : index
        %get3A_236 = tpu.vector_load %arg7[%get3A_234, %get3A_235] {strides = array<i32>} : memref<800x64xf32, #tpu.memory_space<vmem>>, vector<1x16xf32>,
        %get3A_237 = vector.shape_cast %get3A_236 : vector<1x16xf32> to vector<16xf32>
        %mul3A_238 = arith.constant 8.000000e+00 : f32
        %mul3A_239 = vector.broadcast %mul3A_238 : f32 to vector<16xf32>
        %mul3A_240 = arith.mulf %get3A_237, %mul3A_239 : vector<16xf32>
        %get3A_241 = arith.index_cast %add3A_214 : i32 to index
        %get3A_242 = arith.constant 16 : index
        %get3A_243 = tpu.vector_load %arg8[%get3A_241, %get3A_242] {strides = array<i32>} : memref<200x64xf32, #tpu.memory_space<vmem>>, vector<1x16xf32>,
        %get3A_244 = vector.shape_cast %get3A_243 : vector<1x16xf32> to vector<16xf32>
        %add3A_245 = arith.addf %mul3A_240, %get3A_244 : vector<16xf32>
        %swap3A_246 = arith.index_cast %add3A_233 : i32 to index
        %swap3A_247 = arith.constant 16 : index
        %swap3A_248 = tpu.vector_load %arg7[%swap3A_246, %swap3A_247] {strides = array<i32>} : memref<800x64xf32, #tpu.memory_space<vmem>>, vector<1x16xf32>,
        %swap3A_249 = vector.shape_cast %swap3A_248 : vector<1x16xf32> to vector<16xf32>
        %swap3A_250 = vector.shape_cast %add3A_245 : vector<16xf32> to vector<1x16xf32>
        tpu.vector_store %arg7[%swap3A_246, %swap3A_247], %swap3A_250 {strides = array<i32>} : memref<800x64xf32, #tpu.memory_space<vmem>>, vector<1x16xf32>,
        %add3A_251 = arith.constant 200 : i32
        %add3A_252 = arith.addi %add3A_251, %add3A_214 : i32
        %get3A_253 = arith.index_cast %add3A_252 : i32 to index
        %get3A_254 = arith.constant 32 : index
        %get3A_255 = tpu.vector_load %arg7[%get3A_253, %get3A_254] {strides = array<i32>} : memref<800x64xf32, #tpu.memory_space<vmem>>, vector<1x16xf32>,
        %get3A_256 = vector.shape_cast %get3A_255 : vector<1x16xf32> to vector<16xf32>
        %mul3A_257 = arith.constant 8.000000e+00 : f32
        %mul3A_258 = vector.broadcast %mul3A_257 : f32 to vector<16xf32>
        %mul3A_259 = arith.mulf %get3A_256, %mul3A_258 : vector<16xf32>
        %get3A_260 = arith.index_cast %add3A_214 : i32 to index
        %get3A_261 = arith.constant 32 : index
        %get3A_262 = tpu.vector_load %arg8[%get3A_260, %get3A_261] {strides = array<i32>} : memref<200x64xf32, #tpu.memory_space<vmem>>, vector<1x16xf32>,
        %get3A_263 = vector.shape_cast %get3A_262 : vector<1x16xf32> to vector<16xf32>
        %add3A_264 = arith.addf %mul3A_259, %get3A_263 : vector<16xf32>
        %swap3A_265 = arith.index_cast %add3A_252 : i32 to index
        %swap3A_266 = arith.constant 32 : index
        %swap3A_267 = tpu.vector_load %arg7[%swap3A_265, %swap3A_266] {strides = array<i32>} : memref<800x64xf32, #tpu.memory_space<vmem>>, vector<1x16xf32>,
        %swap3A_268 = vector.shape_cast %swap3A_267 : vector<1x16xf32> to vector<16xf32>
        %swap3A_269 = vector.shape_cast %add3A_264 : vector<16xf32> to vector<1x16xf32>
        tpu.vector_store %arg7[%swap3A_265, %swap3A_266], %swap3A_269 {strides = array<i32>} : memref<800x64xf32, #tpu.memory_space<vmem>>, vector<1x16xf32>,
        %add3A_270 = arith.constant 200 : i32
        %add3A_271 = arith.addi %add3A_270, %add3A_214 : i32
        %get3A_272 = arith.index_cast %add3A_271 : i32 to index
        %get3A_273 = arith.constant 48 : index
        %get3A_274 = tpu.vector_load %arg7[%get3A_272, %get3A_273] {strides = array<i32>} : memref<800x64xf32, #tpu.memory_space<vmem>>, vector<1x16xf32>,
        %get3A_275 = vector.shape_cast %get3A_274 : vector<1x16xf32> to vector<16xf32>
        %mul3A_276 = arith.constant 8.000000e+00 : f32
        %mul3A_277 = vector.broadcast %mul3A_276 : f32 to vector<16xf32>
        %mul3A_278 = arith.mulf %get3A_275, %mul3A_277 : vector<16xf32>
        %get3A_279 = arith.index_cast %add3A_214 : i32 to index
        %get3A_280 = arith.constant 48 : index
        %get3A_281 = tpu.vector_load %arg8[%get3A_279, %get3A_280] {strides = array<i32>} : memref<200x64xf32, #tpu.memory_space<vmem>>, vector<1x16xf32>,
        %get3A_282 = vector.shape_cast %get3A_281 : vector<1x16xf32> to vector<16xf32>
        %add3A_283 = arith.addf %mul3A_278, %get3A_282 : vector<16xf32>
        %swap3A_284 = arith.index_cast %add3A_271 : i32 to index
        %swap3A_285 = arith.constant 48 : index
        %swap3A_286 = tpu.vector_load %arg7[%swap3A_284, %swap3A_285] {strides = array<i32>} : memref<800x64xf32, #tpu.memory_space<vmem>>, vector<1x16xf32>,
        %swap3A_287 = vector.shape_cast %swap3A_286 : vector<1x16xf32> to vector<16xf32>
        %swap3A_288 = vector.shape_cast %add3A_283 : vector<16xf32> to vector<1x16xf32>
        tpu.vector_store %arg7[%swap3A_284, %swap3A_285], %swap3A_288 {strides = array<i32>} : memref<800x64xf32, #tpu.memory_space<vmem>>, vector<1x16xf32>,
      }
      %scan3A_199 = arith.constant 200 : i32
      %scan3A_200 = arith.constant 0 : i32
      %scan3A_201 = arith.constant 200 : i32
      %scan3A_202 = arith.addi %scan3A_200, %scan3A_201 : i32
      %scan3A_203 = arith.constant 1 : i32
      scf.for %scan3A_210 = %scan3A_200 to %scan3A_202 step %scan3A_203  : i32 {
        %mul3A_211 = arith.constant 1 : i32
        %mul3A_212 = arith.muli %scan3A_210, %mul3A_211 : i32
        %add3A_213 = arith.constant 0 : i32
        %add3A_214 = arith.addi %add3A_213, %mul3A_212 : i32
        %add3A_215 = arith.constant 400 : i32
        %add3A_216 = arith.addi %add3A_215, %add3A_214 : i32
        %get3A = arith.index_cast %add3A_216 : i32 to index
        %get3A_217 = arith.constant 0 : index
        %get3A_218 = tpu.vector_load %arg7[%get3A, %get3A_217] {strides = array<i32>} : memref<800x64xf32, #tpu.memory_space<vmem>>, vector<1x16xf32>,
        %get3A_219 = vector.shape_cast %get3A_218 : vector<1x16xf32> to vector<16xf32>
        %mul3A_220 = arith.constant 8.000000e+00 : f32
        %mul3A_221 = vector.broadcast %mul3A_220 : f32 to vector<16xf32>
        %mul3A_222 = arith.mulf %get3A_219, %mul3A_221 : vector<16xf32>
        %get3A_223 = arith.index_cast %add3A_214 : i32 to index
        %get3A_224 = arith.constant 0 : index
        %get3A_225 = tpu.vector_load %arg8[%get3A_223, %get3A_224] {strides = array<i32>} : memref<200x64xf32, #tpu.memory_space<vmem>>, vector<1x16xf32>,
        %get3A_226 = vector.shape_cast %get3A_225 : vector<1x16xf32> to vector<16xf32>
        %add3A_227 = arith.addf %mul3A_222, %get3A_226 : vector<16xf32>
        %swap3A = arith.index_cast %add3A_216 : i32 to index
        %swap3A_228 = arith.constant 0 : index
        %swap3A_229 = tpu.vector_load %arg7[%swap3A, %swap3A_228] {strides = array<i32>} : memref<800x64xf32, #tpu.memory_space<vmem>>, vector<1x16xf32>,
        %swap3A_230 = vector.shape_cast %swap3A_229 : vector<1x16xf32> to vector<16xf32>
        %swap3A_231 = vector.shape_cast %add3A_227 : vector<16xf32> to vector<1x16xf32>
        tpu.vector_store %arg7[%swap3A, %swap3A_228], %swap3A_231 {strides = array<i32>} : memref<800x64xf32, #tpu.memory_space<vmem>>, vector<1x16xf32>,
        %add3A_232 = arith.constant 400 : i32
        %add3A_233 = arith.addi %add3A_232, %add3A_214 : i32
        %get3A_234 = arith.index_cast %add3A_233 : i32 to index
        %get3A_235 = arith.constant 16 : index
        %get3A_236 = tpu.vector_load %arg7[%get3A_234, %get3A_235] {strides = array<i32>} : memref<800x64xf32, #tpu.memory_space<vmem>>, vector<1x16xf32>,
        %get3A_237 = vector.shape_cast %get3A_236 : vector<1x16xf32> to vector<16xf32>
        %mul3A_238 = arith.constant 8.000000e+00 : f32
        %mul3A_239 = vector.broadcast %mul3A_238 : f32 to vector<16xf32>
        %mul3A_240 = arith.mulf %get3A_237, %mul3A_239 : vector<16xf32>
        %get3A_241 = arith.index_cast %add3A_214 : i32 to index
        %get3A_242 = arith.constant 16 : index
        %get3A_243 = tpu.vector_load %arg8[%get3A_241, %get3A_242] {strides = array<i32>} : memref<200x64xf32, #tpu.memory_space<vmem>>, vector<1x16xf32>,
        %get3A_244 = vector.shape_cast %get3A_243 : vector<1x16xf32> to vector<16xf32>
        %add3A_245 = arith.addf %mul3A_240, %get3A_244 : vector<16xf32>
        %swap3A_246 = arith.index_cast %add3A_233 : i32 to index
        %swap3A_247 = arith.constant 16 : index
        %swap3A_248 = tpu.vector_load %arg7[%swap3A_246, %swap3A_247] {strides = array<i32>} : memref<800x64xf32, #tpu.memory_space<vmem>>, vector<1x16xf32>,
        %swap3A_249 = vector.shape_cast %swap3A_248 : vector<1x16xf32> to vector<16xf32>
        %swap3A_250 = vector.shape_cast %add3A_245 : vector<16xf32> to vector<1x16xf32>
        tpu.vector_store %arg7[%swap3A_246, %swap3A_247], %swap3A_250 {strides = array<i32>} : memref<800x64xf32, #tpu.memory_space<vmem>>, vector<1x16xf32>,
        %add3A_251 = arith.constant 400 : i32
        %add3A_252 = arith.addi %add3A_251, %add3A_214 : i32
        %get3A_253 = arith.index_cast %add3A_252 : i32 to index
        %get3A_254 = arith.constant 32 : index
        %get3A_255 = tpu.vector_load %arg7[%get3A_253, %get3A_254] {strides = array<i32>} : memref<800x64xf32, #tpu.memory_space<vmem>>, vector<1x16xf32>,
        %get3A_256 = vector.shape_cast %get3A_255 : vector<1x16xf32> to vector<16xf32>
        %mul3A_257 = arith.constant 8.000000e+00 : f32
        %mul3A_258 = vector.broadcast %mul3A_257 : f32 to vector<16xf32>
        %mul3A_259 = arith.mulf %get3A_256, %mul3A_258 : vector<16xf32>
        %get3A_260 = arith.index_cast %add3A_214 : i32 to index
        %get3A_261 = arith.constant 32 : index
        %get3A_262 = tpu.vector_load %arg8[%get3A_260, %get3A_261] {strides = array<i32>} : memref<200x64xf32, #tpu.memory_space<vmem>>, vector<1x16xf32>,
        %get3A_263 = vector.shape_cast %get3A_262 : vector<1x16xf32> to vector<16xf32>
        %add3A_264 = arith.addf %mul3A_259, %get3A_263 : vector<16xf32>
        %swap3A_265 = arith.index_cast %add3A_252 : i32 to index
        %swap3A_266 = arith.constant 32 : index
        %swap3A_267 = tpu.vector_load %arg7[%swap3A_265, %swap3A_266] {strides = array<i32>} : memref<800x64xf32, #tpu.memory_space<vmem>>, vector<1x16xf32>,
        %swap3A_268 = vector.shape_cast %swap3A_267 : vector<1x16xf32> to vector<16xf32>
        %swap3A_269 = vector.shape_cast %add3A_264 : vector<16xf32> to vector<1x16xf32>
        tpu.vector_store %arg7[%swap3A_265, %swap3A_266], %swap3A_269 {strides = array<i32>} : memref<800x64xf32, #tpu.memory_space<vmem>>, vector<1x16xf32>,
        %add3A_270 = arith.constant 400 : i32
        %add3A_271 = arith.addi %add3A_270, %add3A_214 : i32
        %get3A_272 = arith.index_cast %add3A_271 : i32 to index
        %get3A_273 = arith.constant 48 : index
        %get3A_274 = tpu.vector_load %arg7[%get3A_272, %get3A_273] {strides = array<i32>} : memref<800x64xf32, #tpu.memory_space<vmem>>, vector<1x16xf32>,
        %get3A_275 = vector.shape_cast %get3A_274 : vector<1x16xf32> to vector<16xf32>
        %mul3A_276 = arith.constant 8.000000e+00 : f32
        %mul3A_277 = vector.broadcast %mul3A_276 : f32 to vector<16xf32>
        %mul3A_278 = arith.mulf %get3A_275, %mul3A_277 : vector<16xf32>
        %get3A_279 = arith.index_cast %add3A_214 : i32 to index
        %get3A_280 = arith.constant 48 : index
        %get3A_281 = tpu.vector_load %arg8[%get3A_279, %get3A_280] {strides = array<i32>} : memref<200x64xf32, #tpu.memory_space<vmem>>, vector<1x16xf32>,
        %get3A_282 = vector.shape_cast %get3A_281 : vector<1x16xf32> to vector<16xf32>
        %add3A_283 = arith.addf %mul3A_278, %get3A_282 : vector<16xf32>
        %swap3A_284 = arith.index_cast %add3A_271 : i32 to index
        %swap3A_285 = arith.constant 48 : index
        %swap3A_286 = tpu.vector_load %arg7[%swap3A_284, %swap3A_285] {strides = array<i32>} : memref<800x64xf32, #tpu.memory_space<vmem>>, vector<1x16xf32>,
        %swap3A_287 = vector.shape_cast %swap3A_286 : vector<1x16xf32> to vector<16xf32>
        %swap3A_288 = vector.shape_cast %add3A_283 : vector<16xf32> to vector<1x16xf32>
        tpu.vector_store %arg7[%swap3A_284, %swap3A_285], %swap3A_288 {strides = array<i32>} : memref<800x64xf32, #tpu.memory_space<vmem>>, vector<1x16xf32>,
      }
      %scan3A_204 = arith.constant 200 : i32
      %scan3A_205 = arith.constant 0 : i32
      %scan3A_206 = arith.constant 200 : i32
      %scan3A_207 = arith.addi %scan3A_205, %scan3A_206 : i32
      %scan3A_208 = arith.constant 1 : i32
      scf.for %scan3A_210 = %scan3A_205 to %scan3A_207 step %scan3A_208  : i32 {
        %mul3A_211 = arith.constant 1 : i32
        %mul3A_212 = arith.muli %scan3A_210, %mul3A_211 : i32
        %add3A_213 = arith.constant 0 : i32
        %add3A_214 = arith.addi %add3A_213, %mul3A_212 : i32
        %add3A_215 = arith.constant 600 : i32
        %add3A_216 = arith.addi %add3A_215, %add3A_214 : i32
        %get3A = arith.index_cast %add3A_216 : i32 to index
        %get3A_217 = arith.constant 0 : index
        %get3A_218 = tpu.vector_load %arg7[%get3A, %get3A_217] {strides = array<i32>} : memref<800x64xf32, #tpu.memory_space<vmem>>, vector<1x16xf32>,
        %get3A_219 = vector.shape_cast %get3A_218 : vector<1x16xf32> to vector<16xf32>
        %mul3A_220 = arith.constant 8.000000e+00 : f32
        %mul3A_221 = vector.broadcast %mul3A_220 : f32 to vector<16xf32>
        %mul3A_222 = arith.mulf %get3A_219, %mul3A_221 : vector<16xf32>
        %get3A_223 = arith.index_cast %add3A_214 : i32 to index
        %get3A_224 = arith.constant 0 : index
        %get3A_225 = tpu.vector_load %arg8[%get3A_223, %get3A_224] {strides = array<i32>} : memref<200x64xf32, #tpu.memory_space<vmem>>, vector<1x16xf32>,
        %get3A_226 = vector.shape_cast %get3A_225 : vector<1x16xf32> to vector<16xf32>
        %add3A_227 = arith.addf %mul3A_222, %get3A_226 : vector<16xf32>
        %swap3A = arith.index_cast %add3A_216 : i32 to index
        %swap3A_228 = arith.constant 0 : index
        %swap3A_229 = tpu.vector_load %arg7[%swap3A, %swap3A_228] {strides = array<i32>} : memref<800x64xf32, #tpu.memory_space<vmem>>, vector<1x16xf32>,
        %swap3A_230 = vector.shape_cast %swap3A_229 : vector<1x16xf32> to vector<16xf32>
        %swap3A_231 = vector.shape_cast %add3A_227 : vector<16xf32> to vector<1x16xf32>
        tpu.vector_store %arg7[%swap3A, %swap3A_228], %swap3A_231 {strides = array<i32>} : memref<800x64xf32, #tpu.memory_space<vmem>>, vector<1x16xf32>,
        %add3A_232 = arith.constant 600 : i32
        %add3A_233 = arith.addi %add3A_232, %add3A_214 : i32
        %get3A_234 = arith.index_cast %add3A_233 : i32 to index
        %get3A_235 = arith.constant 16 : index
        %get3A_236 = tpu.vector_load %arg7[%get3A_234, %get3A_235] {strides = array<i32>} : memref<800x64xf32, #tpu.memory_space<vmem>>, vector<1x16xf32>,
        %get3A_237 = vector.shape_cast %get3A_236 : vector<1x16xf32> to vector<16xf32>
        %mul3A_238 = arith.constant 8.000000e+00 : f32
        %mul3A_239 = vector.broadcast %mul3A_238 : f32 to vector<16xf32>
        %mul3A_240 = arith.mulf %get3A_237, %mul3A_239 : vector<16xf32>
        %get3A_241 = arith.index_cast %add3A_214 : i32 to index
        %get3A_242 = arith.constant 16 : index
        %get3A_243 = tpu.vector_load %arg8[%get3A_241, %get3A_242] {strides = array<i32>} : memref<200x64xf32, #tpu.memory_space<vmem>>, vector<1x16xf32>,
        %get3A_244 = vector.shape_cast %get3A_243 : vector<1x16xf32> to vector<16xf32>
        %add3A_245 = arith.addf %mul3A_240, %get3A_244 : vector<16xf32>
        %swap3A_246 = arith.index_cast %add3A_233 : i32 to index
        %swap3A_247 = arith.constant 16 : index
        %swap3A_248 = tpu.vector_load %arg7[%swap3A_246, %swap3A_247] {strides = array<i32>} : memref<800x64xf32, #tpu.memory_space<vmem>>, vector<1x16xf32>,
        %swap3A_249 = vector.shape_cast %swap3A_248 : vector<1x16xf32> to vector<16xf32>
        %swap3A_250 = vector.shape_cast %add3A_245 : vector<16xf32> to vector<1x16xf32>
        tpu.vector_store %arg7[%swap3A_246, %swap3A_247], %swap3A_250 {strides = array<i32>} : memref<800x64xf32, #tpu.memory_space<vmem>>, vector<1x16xf32>,
        %add3A_251 = arith.constant 600 : i32
        %add3A_252 = arith.addi %add3A_251, %add3A_214 : i32
        %get3A_253 = arith.index_cast %add3A_252 : i32 to index
        %get3A_254 = arith.constant 32 : index
        %get3A_255 = tpu.vector_load %arg7[%get3A_253, %get3A_254] {strides = array<i32>} : memref<800x64xf32, #tpu.memory_space<vmem>>, vector<1x16xf32>,
        %get3A_256 = vector.shape_cast %get3A_255 : vector<1x16xf32> to vector<16xf32>
        %mul3A_257 = arith.constant 8.000000e+00 : f32
        %mul3A_258 = vector.broadcast %mul3A_257 : f32 to vector<16xf32>
        %mul3A_259 = arith.mulf %get3A_256, %mul3A_258 : vector<16xf32>
        %get3A_260 = arith.index_cast %add3A_214 : i32 to index
        %get3A_261 = arith.constant 32 : index
        %get3A_262 = tpu.vector_load %arg8[%get3A_260, %get3A_261] {strides = array<i32>} : memref<200x64xf32, #tpu.memory_space<vmem>>, vector<1x16xf32>,
        %get3A_263 = vector.shape_cast %get3A_262 : vector<1x16xf32> to vector<16xf32>
        %add3A_264 = arith.addf %mul3A_259, %get3A_263 : vector<16xf32>
        %swap3A_265 = arith.index_cast %add3A_252 : i32 to index
        %swap3A_266 = arith.constant 32 : index
        %swap3A_267 = tpu.vector_load %arg7[%swap3A_265, %swap3A_266] {strides = array<i32>} : memref<800x64xf32, #tpu.memory_space<vmem>>, vector<1x16xf32>,
        %swap3A_268 = vector.shape_cast %swap3A_267 : vector<1x16xf32> to vector<16xf32>
        %swap3A_269 = vector.shape_cast %add3A_264 : vector<16xf32> to vector<1x16xf32>
        tpu.vector_store %arg7[%swap3A_265, %swap3A_266], %swap3A_269 {strides = array<i32>} : memref<800x64xf32, #tpu.memory_space<vmem>>, vector<1x16xf32>,
        %add3A_270 = arith.constant 600 : i32
        %add3A_271 = arith.addi %add3A_270, %add3A_214 : i32
        %get3A_272 = arith.index_cast %add3A_271 : i32 to index
        %get3A_273 = arith.constant 48 : index
        %get3A_274 = tpu.vector_load %arg7[%get3A_272, %get3A_273] {strides = array<i32>} : memref<800x64xf32, #tpu.memory_space<vmem>>, vector<1x16xf32>,
        %get3A_275 = vector.shape_cast %get3A_274 : vector<1x16xf32> to vector<16xf32>
        %mul3A_276 = arith.constant 8.000000e+00 : f32
        %mul3A_277 = vector.broadcast %mul3A_276 : f32 to vector<16xf32>
        %mul3A_278 = arith.mulf %get3A_275, %mul3A_277 : vector<16xf32>
        %get3A_279 = arith.index_cast %add3A_214 : i32 to index
        %get3A_280 = arith.constant 48 : index
        %get3A_281 = tpu.vector_load %arg8[%get3A_279, %get3A_280] {strides = array<i32>} : memref<200x64xf32, #tpu.memory_space<vmem>>, vector<1x16xf32>,
        %get3A_282 = vector.shape_cast %get3A_281 : vector<1x16xf32> to vector<16xf32>
        %add3A_283 = arith.addf %mul3A_278, %get3A_282 : vector<16xf32>
        %swap3A_284 = arith.index_cast %add3A_271 : i32 to index
        %swap3A_285 = arith.constant 48 : index
        %swap3A_286 = tpu.vector_load %arg7[%swap3A_284, %swap3A_285] {strides = array<i32>} : memref<800x64xf32, #tpu.memory_space<vmem>>, vector<1x16xf32>,
        %swap3A_287 = vector.shape_cast %swap3A_286 : vector<1x16xf32> to vector<16xf32>
        %swap3A_288 = vector.shape_cast %add3A_283 : vector<16xf32> to vector<1x16xf32>
        tpu.vector_store %arg7[%swap3A_284, %swap3A_285], %swap3A_288 {strides = array<i32>} : memref<800x64xf32, #tpu.memory_space<vmem>>, vector<1x16xf32>,
      }
      %scan3A_209 = arith.constant 200 : i32
      "tpu.region"() ({
        %run_scoped3A = tpu.sem_alloc : memref<!tpu.dma_semaphore, #tpu.memory_space<semaphore_mem>>
        %dma_start3A_210 = arith.constant 0 : i32
        %dma_start3A_211 = tpu.memref_slice %arg5[%multiple_of3A, %dma_start3A_210] : memref<819200x64xf32, #tpu.memory_space<hbm>> -> memref<800x64xf32, #tpu.memory_space<hbm>>
        %dma_start3A_212 = arith.constant 0 : i32
        %dma_start3A_213 = tpu.memref_slice %arg5[%multiple_of3A, %dma_start3A_212] : memref<819200x64xf32, #tpu.memory_space<hbm>> -> memref<800x64xf32, #tpu.memory_space<hbm>>
        tpu.enqueue_dma source(%arg7 : memref<800x64xf32, #tpu.memory_space<vmem>>) target(%dma_start3A_213 : memref<800x64xf32, #tpu.memory_space<hbm>>) target_semaphore(%run_scoped3A : memref<!tpu.dma_semaphore, #tpu.memory_space<semaphore_mem>>)
        %dma_wait3A_214 = arith.constant 0 : i32
        %dma_wait3A_215 = tpu.memref_slice %arg5[%multiple_of3A, %dma_wait3A_214] : memref<819200x64xf32, #tpu.memory_space<hbm>> -> memref<800x64xf32, #tpu.memory_space<hbm>>
        %dma_wait3A_216 = arith.constant 0 : i32
        %dma_wait3A_217 = tpu.memref_slice %arg5[%multiple_of3A, %dma_wait3A_216] : memref<819200x64xf32, #tpu.memory_space<hbm>> -> memref<800x64xf32, #tpu.memory_space<hbm>>
        tpu.wait_dma2 semaphore(%run_scoped3A : memref<!tpu.dma_semaphore, #tpu.memory_space<semaphore_mem>>) src(%arg7 : memref<800x64xf32, #tpu.memory_space<vmem>>) dst(%dma_wait3A_217 : memref<800x64xf32, #tpu.memory_space<hbm>>)
        tpu.yield
      }) : () -> ()
    }
    %scan3A_4 = arith.constant 32 : i32
    return
  }
}

</mosaic_0001>

<sc_bundles>
// kernel: kernel.3.cloned.1.call-start
scs
__scs_entry_jumppad:
0x0: {  	(pc) =	sbr.rel $0x88, $3  }
0x1: {  	(tag) =	ssettag $0x0;
	lr =	simm.s32 $0x1  }
0x2: {  	[smem:$0x3F9D] =	sst lr;
	_ =	strace $0xD0000000  }
0x3: {  	_ = 	snop  }
0x4: {  	_ = 	snop  }
0x5: {  	_ = 	snop  }
0x6: {  	_ = 	snop  }
0x7: {  	_ = 	snop  }
__scs_overlays_trampoline_lowered:
0x8: {  	[smem:$0x3FAC] =	sst s0  }
0x9: {  	[smem:$0x3FAD] =	sst s1  }
0xa: {  	[smem:$0x3FAE] =	sst s2  }
0xb: {  	[smem:$0x3FAF] =	sst s3  }
0xc: {  	[smem:$0x3FB0] =	sst s4  }
0xd: {  	[smem:$0x3FB1] =	sst s5  }
0xe: {  	[smem:$0x3FB2] =	sst s6  }
0xf: {  	[smem:$0x3FB3] =	sst s7  }
0x10: {  	[smem:$0x3FB4] =	sst s8  }
0x11: {  	[smem:$0x3FB5] =	sst s9;
	s0 =	simm.s32 @!p0 $0x0  }
0x12: {  	s1 =	sld [smem:$0x3F9B];
	s0 =	simm.s32 @p0 $0x1  }
0x13: {  	[smem:$0x3FB6] =	sst s0;
	s0 =	simm.s32 @!p1 $0x0  }
0x14: {  	s2 =	sld [smem:$0x3F9A];
	s0 =	simm.s32 @p1 $0x1  }
0x15: {  	[smem:$0x3FB7] =	sst s0;
	s0 =	simm.s32 @!p2 $0x0  }
0x16: {  	s3 =	sld [smem:$0x3FDB];
	s0 =	simm.s32 @p2 $0x1  }
0x17: {  	s4 =	simm.s32 $0x1BF5;
	[smem:$0x3FB9] =	sst s0  }
0x18: {  	s0 =	sld [smem:$0x3F9C];
	_ =	swait.ge [sflag:s4], $0x0  }
0x19: {  	s7 =	sld [smem:$0x3F9D]  }
0x1a: {  	s8 =	sadd.s32 $0xFFFFE003, lr  }
0x1b: {  	s9 =	sadd.s32 $0xFFFFFEF7, lr;
	s5 =	simm.s32 $0xFFFFFFFF;
	p2 =	slt.u32 s8, $0xFFFFF086  }
0x1c: {  	p1 =	slt.u32 s9, $0xF7A;
	s5 =	simm.s32 @!p2 $0x0  }
0x1d: {  	s5 =	simm.s32 @p1 $0x1;
	p0 =	seq.s32 s7, s2  }
0x1e: {  	s7 =	smul.u32 @!p0 $0xF7A, s2;
	p2 =	seq.s32 @!p0 s5, $0x0  }
0x1f: {  	s9 =	smul.u32 $0xF7A, s1;
	s8 =	simm.s32 @!p0 $0x1BF5;
	p2 =	por !p2, p0  }
0x20: {  	[sflag:s8] =	ssyncset.s32 @!p0 $0xFFFFF086;
	s6 =	sadd.s32 @!p0 s3, s7;
	s7 =	simm.s32 @!p0 $0x108  }
0x21: {  	s3 =	sadd.s32 s3, s9;
	s6 =	sadd.s32 @!p0 $0x88, s6;
	s7 =	simm.s32 @p2 $0x1082  }
0x22: {  	[simem:s7], [sflag:s8] =	dma.local @!p0 [hbm:s6], $0xF7A  }
0x23: {  	s9 =	sor.u32 $0xD0000000, s2;
	s6 =	simm.s32 $0x108;
	_ =	swait.ge @!p0 [sflag:s8], $0x0  }
0x24: {  	s3 =	sadd.s32 $0x88, s3;
	s6 =	simm.s32 @!p1 $0x1082;
	[sflag:s4] =	ssyncset.s32 $0xFFFFF086  }
0x25: {  	[simem:s6], [sflag:s4] =	dma.local [hbm:s3], $0xF7A  }
0x26: {  	[smem:$0x3F9D] =	sst s1;
	(tag) =	ssettag s2;
	_ =	strace s9  }
0x27: {  	s1 =	sld [smem:$0x3FAD]  }
0x28: {  	s2 =	sld [smem:$0x3FAE]  }
0x29: {  	s4 =	sld [smem:$0x3FB0]  }
0x2a: {  	p0 =	seq.s32 s5, $0x0;
	s5 =	sld [smem:$0x3FB1]  }
0x2b: {  	s6 =	sld [smem:$0x3FB2]  }
0x2c: {  	s7 =	sld [smem:$0x3FB3]  }
0x2d: {  	s3 =	simm.s32 $0x108;
	s8 =	sld [smem:$0x3FB4]  }
0x2e: {  	s3 =	simm.s32 @!p0 $0x1082;
	s9 =	sld [smem:$0x3FB5]  }
0x2f: {  	lr =	sadd.s32 s0, s3;
	s0 =	sld [smem:$0x3FAC]  }
0x30: {  	s3 =	sld [smem:$0x3FAF]  }
0x31: {  	[smem:$0x3FB8] =	sst s10  }
0x32: {  	s10 =	sld [smem:$0x3FB6];
	_ =	sdelay $0x3  }
0x33: {  	p0 =	seq.s32 s10, $0x1;
	s10 =	sld [smem:$0x3FB8];
	_ =	sdelay $0x3  }
0x34: {  	[smem:$0x3FB8] =	sst s10  }
0x35: {  	s10 =	sld [smem:$0x3FB7];
	_ =	sdelay $0x3  }
0x36: {  	p1 =	seq.s32 s10, $0x1;
	s10 =	sld [smem:$0x3FB8];
	_ =	sdelay $0x3  }
0x37: {  	[smem:$0x3FB8] =	sst s10  }
0x38: {  	s10 =	sld [smem:$0x3FB9]  }
0x39: {  	_ = 	snop;
	(pc) =	sbr.ind lr, $3  }
0x3a: {  	_ = 	snop  }
0x3b: {  	_ = 	snop  }
0x3c: {  	p2 =	seq.s32 s10, $0x1;
	s10 =	sld [smem:$0x3FB8]  }
0x3d: {  	_ =	shalt  }
0x3e: {  	_ =	shalt  }
0x3f: {  	_ =	shalt  }
0x40: {  	_ =	shalt  }
0x41: {  	_ =	shalt  }
0x42: {  	_ =	shalt  }
0x43: {  	_ =	shalt  }
0x44: {  	_ =	shalt  }
0x45: {  	_ =	shalt  }
0x46: {  	_ =	shalt  }
0x47: {  	_ =	shalt  }
0x48: {  	_ =	shalt  }
0x49: {  	_ =	shalt  }
0x4a: {  	_ =	shalt  }
0x4b: {  	_ =	shalt  }
0x4c: {  	_ =	shalt  }
0x4d: {  	_ =	shalt  }
0x4e: {  	_ =	shalt  }
0x4f: {  	_ =	shalt  }
0x50: {  	_ =	shalt  }
0x51: {  	_ =	shalt  }
0x52: {  	_ =	shalt  }
0x53: {  	_ =	shalt  }
0x54: {  	_ =	shalt  }
0x55: {  	_ =	shalt  }
0x56: {  	_ =	shalt  }
0x57: {  	_ =	shalt  }
0x58: {  	_ =	shalt  }
0x59: {  	_ =	shalt  }
0x5a: {  	_ =	shalt  }
0x5b: {  	_ =	shalt  }
0x5c: {  	_ =	shalt  }
0x5d: {  	_ =	shalt  }
0x5e: {  	_ =	shalt  }
0x5f: {  	_ =	shalt  }
0x60: {  	_ =	shalt  }
0x61: {  	_ =	shalt  }
0x62: {  	_ =	shalt  }
0x63: {  	_ =	shalt  }
0x64: {  	_ =	shalt  }
0x65: {  	_ =	shalt  }
0x66: {  	_ =	shalt  }
0x67: {  	_ =	shalt  }
0x68: {  	_ =	shalt  }
0x69: {  	_ =	shalt  }
0x6a: {  	_ =	shalt  }
0x6b: {  	_ =	shalt  }
0x6c: {  	_ =	shalt  }
0x6d: {  	_ =	shalt  }
0x6e: {  	_ =	shalt  }
0x6f: {  	_ =	shalt  }
0x70: {  	_ =	shalt  }
0x71: {  	_ =	shalt  }
0x72: {  	_ =	shalt  }
0x73: {  	_ =	shalt  }
0x74: {  	_ =	shalt  }
0x75: {  	_ =	shalt  }
0x76: {  	_ =	shalt  }
0x77: {  	_ =	shalt  }
0x78: {  	_ =	shalt  }
0x79: {  	_ =	shalt  }
0x7a: {  	_ =	shalt  }
0x7b: {  	_ =	shalt  }
0x7c: {  	_ =	shalt  }
0x7d: {  	_ =	shalt  }
0x7e: {  	_ =	shalt  }
0x7f: {  	_ =	shalt  }
0x80: {  	_ =	shalt  }
0x81: {  	_ =	shalt  }
0x82: {  	_ =	shalt  }
0x83: {  	_ =	shalt  }
0x84: {  	_ =	shalt  }
0x85: {  	_ =	shalt  }
0x86: {  	_ =	shalt  }
0x87: {  	_ =	shalt  }
.Lfunc_end0:
.L_simem_size_0:
called_computation.1_lowered:
.L_overlay_start_0:
0x88: {  	s2 =	sld [smem:$0x3FD9]  }
0x89: {  	s3 =	sld [smem:$0x3FFE];
	_ =	sdelay $0x1  }
0x8a: {  	s1 =	srdreg.scid  }
0x8b: {  	s0 =	sand.u32 $0x1, s1  }
0x8c: {  	s17 =	sshll.u32 s0, $0xA;
	s2 =	sadd.s32 s3, s2  }
0x8d: {  	s2 =	sadd.s32 s2, s17  }
0x8e: {  	[smem:$0x3FC4] =	sst s2  }
0x8f: {  	_ = 	snop  }
0x90: {  	s2 =	sld [smem:$0x3FD0];
	(tm) =	ssettm $0x1  }
0x91: {  	s18 =	sld [smem:$0x3FFB];
	_ =	sdelay $0x3  }
0x92: {  	_ =	strace s18  }
0x93: {  	s3 =	sld [smem:$0x3FFC];
	_ =	sdelay $0x3  }
0x94: {  	_ =	strace s3  }
0x95: {  	s3 =	sld [smem:$0x3FFD];
	_ =	sdelay $0x3  }
0x96: {  	_ =	strace s3  }
0x97: {  	_ =	strace $0x8FFFFFFF  }
0x98: {  	s19 =	sld [smem:$0x3FDB];
	_ =	sdelay $0x1  }
0x99: {  	s4 =	simm.s32 $_scs_section_size  }
0x9a: {  	s5 =	simm.s32 $_size__tile_overlayer_lowered;
	s6 =	simm.s32 $_tile_overlayer_lowered  }
0x9b: {  	s22 =	simm.s32 $0x1BFF;
	s21 =	sshll.u32 s6, $0x1;
	s3 =	sadd.s32 s4, s19  }
0x9c: {  	s7 =	simm.s32 $0x0;
	s20 =	sshll.u32 s5, $0x1;
	s5 =	sadd.s32 s21, s3  }
0x9d: {  	[timem:s7], [sflag:s22] =	dma.local [hbm:s5], s20  }
0x9e: {  	_ =	swait.ge [sflag:s22], s20  }
0x9f: {  	s4 =	ssub.s32 $0x0, s20;
	[sflag:s22] =	ssyncset.done $0x0  }
0xa0: {  	[sflag:s22] =	ssyncadd.s32 s4;
	_ =	sdelay $0x1  }
0xa1: {  	s23 =	simm.s32 $0x1B8B  }
0xa2: {  	_ =	swait.ge [sflag:s23], $0x1  }
0xa3: {  	[sflag:s23] =	ssyncset.done $0x0  }
0xa4: {  	s25 =	simm.s32 $0x1B8E;
	s24 =	sld [smem:$0x3FFE];
	[sflag:s23] =	ssyncadd.s32 $0xFFFFFFFF  }
0xa5: {  	s26 =	simm.s32 $execute0_lowered;
	[smem:$0x3FD2] =	sst s25  }
0xa6: {  	s5 =	sshll.u32 s26, $0x1;
	_ =	strace $0x80000046;
	[dreg:$0x1] =	wrdreg $0xFFFFFFFF  }
0xa7: {  	s28 =	simm.s32 $_size_execute0_lowered;
	s3 =	sadd.s32 s3, s5;
	[dreg:$0x0] =	wrdreg $0x0  }
0xa8: {  	s5 =	sshll.u32 s28, $0x1;
	[dreg:$0x2] =	wrdreg s3  }
0xa9: {  	[dreg:$0x3] =	wrdreg s5  }
0xaa: {  	[dreg:$0x4] =	wrdreg $0xC0  }
0xab: {  	_ =	task [dreg:s7], $0x5FFFF  }
0xac: {  	[dreg:$0x1] =	wrdreg $0xFFFFFFFF  }
0xad: {  	[dreg:$0x0] =	wrdreg $0x60  }
0xae: {  	[dreg:$0x2] =	wrdreg s24  }
0xaf: {  	[dreg:$0x3] =	wrdreg s2  }
0xb0: {  	[dreg:$0x4] =	wrdreg $0x9  }
0xb1: {  	_ =	task.clear_ibuf [dreg:s7], $0x5FFFF;
	_ =	strace $0x90000046  }
0xb2: {  	s29 =	simm.s32 $0x9;
	_ =	strace $0x80000048  }
0xb3: {  	_ =	swait.ge [sflag:s29], $0x1  }
0xb4: {  	[sflag:s29] =	ssyncadd.s32 $0xFFFFFFFF  }
0xb5: {  	_ =	strace $0x90000048  }
0xb6: {  	_ =	sfence  }
0xb7: {  	s30 =	sld [smem:$0x0];
	_ =	sdelay $0x2  }
0xb8: {  	s31 =	sshll.u32 s1, $0xD;
	s1 =	sshrl.u32 s1, $0x2  }
0xb9: {  	s3 =	sand.u32 $0x4000, s31;
	s1 =	sadd.s32 s1, s30  }
0xba: {  	s0 =	sor.u32 s3, s0;
	s1 =	sshll.u32 s1, $0x11  }
0xbb: {  	s0 =	sor.u32 s1, s0  }
0xbc: {  	s0 =	sadd.s32 $0x8F2B, s0  }
0xbd: {  	[sflag:s0] =	ssyncadd.remote.s32 $0x1  }
0xbe: {  	_ =	sfence.sel $0xFFFF  }
0xbf: {  	[dreg:$0x0] =	wrdreg $0xFFFFFFFF;
	(pc) =	sbr.abs _section_cstart, $3  }
0xc0: {  	[dreg:$0x1] =	wrdreg $0xFFFFFFFF  }
0xc1: {  	_ =	task.clear_ibuf [dreg:s7], $0x2FFFF;
	_ =	strace $0x9FFFFFFF  }
0xc2: {  	(tm) =	ssettm $0x7FFFFFFF  }
0xc3: {  	_ =	shalt  }
tec
execute0_lowered:
.L_overlay_start_1:
0x0: {  	(tag) =	ssettag $0x1  }
0x1: {  	s0 =	rddreg [dreg:$0x0]  }
0x2: {  	s1 =	rddreg [dreg:$0x1]  }
0x3: {  	s2 =	simm.s32 $0x0;
	s3 =	srdreg.scid;
	s30 =	stileid.u32  }
0x4: {  	s10 =	simm.s32 $0x2;
	s11 =	simm.s32 $0x64;
	s12 =	simm.s32 $0x340  }
0x5: {  	s13 =	simm.s32 $0x68;
	s14 =	simm.s32 $0x1C40;
	s15 =	simm.s32 $0xD0  }
0x6: {  	s16 =	simm.s32 $0x3540;
	s17 =	simm.s32 $0x138;
	s18 =	simm.s32 $0x4E40  }
0x7: {  	s19 =	simm.s32 $0x1A0;
	s20 =	simm.s32 $0x6740;
	s21 =	simm.s32 $0x208  }
0x8: {  	s22 =	simm.s32 $0x8040;
	s23 =	simm.s32 $0x270;
	s24 =	simm.s32 $0x9940  }
0x9: {  	s25 =	simm.s32 $0x2D8;
	s26 =	simm.s32 $0xB240;
	s28 =	simm.s32 $0x1  }
0xa: {  	s29 =	simm.s32 $0x0;
	[smem:$0x7FF] =	sst s2;
	s3 =	sand.u32 $0x1, s3  }
0xb: {  	s4 =	sadd.s32 $0x1400, s0;
	s5 =	sadd.s32 $0xC00, s0;
	s7 =	ssub.s32 $0x2, s3  }
0xc: {  	s9 =	sshll.u32 s30, $0x6;
	s6 =	sadd.s32 $0xF43800, s0;
	s8 =	sshrl.u32 s7, $0x1  }
0xd: {  	_ =	strace $0x80000047;
	s3 =	sshll.u32 s3, $0x5;
	s31 =	ssub.s32 s7, s8  }
0xe: {  	[dreg:$0x3] =	wrdreg s5;
	s7 =	sor.u32 s3, s9;
	s8 =	smax.u32 s31, $0x1  }
.LBB2_1:
0xf: {  	s0 =	rddreg [dreg:$0x3];
	s3 =	simm.s32 $0xCB40  }
0x10: {  	[tilespmem:s3], [sflag:$0x2] =	stream.linear.gather [hbm4b:s0+s2], $0x3200, $0x38;
	[tilespmem:$0xFD40] =	vst v63  }
0x11: {  	_ =	swait.ge [sflag:s10], $0x3200  }
0x12: {  	[sflag:s10] =	ssyncset.done $0x0  }
0x13: {  	s30 =	simm.s32 $0x0;
	[sflag:s10] =	ssyncadd.s32 $0xFFFFCE00  }
.LBB2_2:
0x14: {  	s31 =	sadd.s32 s7, s30  }
0x15: {  	s0 =	smul.u32 $0x68, s31;
	_ =	sdelay $0x1  }
0x16: {  	s3 =	simm.s32 $0x0;
	s0 =	sadd.s32 s4, s0  }
0x17: {  	[tilespmem:s3], [sflag:$0x2] =	stream.linear.gather [hbm4b:s0+s3], $0x340, $0x38;
	[tilespmem:$0xFD40] =	vst v63  }
0x18: {  	_ =	swait.ge [sflag:s10], $0x340  }
0x19: {  	[sflag:s10] =	ssyncset.done $0x0  }
0x1a: {  	[sflag:s10] =	ssyncadd.s32 $0xFFFFFCC0  }
0x1b: {  	[tilespmem:s12], [sflag:$0x1] =	stream.indirect.gather [hbm4b:s6+s11], $0x40, s3, s11, $0xb8;
	[tilespmem:$0xFD40] =	vst v63  }
0x1c: {  	_ = 	snop  }
0x1d: {  	[tilespmem:s14], [sflag:$0x1] =	stream.indirect.gather [hbm4b:s6+s11], $0x40, s13, s11, $0xb8;
	[tilespmem:$0xFD40] =	vst v63  }
0x1e: {  	_ = 	snop  }
0x1f: {  	[tilespmem:s16], [sflag:$0x1] =	stream.indirect.gather [hbm4b:s6+s11], $0x40, s15, s11, $0xb8;
	[tilespmem:$0xFD40] =	vst v63  }
0x20: {  	_ = 	snop  }
0x21: {  	[tilespmem:s18], [sflag:$0x1] =	stream.indirect.gather [hbm4b:s6+s11], $0x40, s17, s11, $0xb8;
	[tilespmem:$0xFD40] =	vst v63  }
0x22: {  	_ = 	snop  }
0x23: {  	[tilespmem:s20], [sflag:$0x1] =	stream.indirect.gather [hbm4b:s6+s11], $0x40, s19, s11, $0xb8;
	[tilespmem:$0xFD40] =	vst v63  }
0x24: {  	_ = 	snop  }
0x25: {  	[tilespmem:s22], [sflag:$0x1] =	stream.indirect.gather [hbm4b:s6+s11], $0x40, s21, s11, $0xb8;
	[tilespmem:$0xFD40] =	vst v63  }
0x26: {  	_ = 	snop  }
0x27: {  	[tilespmem:s24], [sflag:$0x1] =	stream.indirect.gather [hbm4b:s6+s11], $0x40, s23, s11, $0xb8;
	[tilespmem:$0xFD40] =	vst v63  }
0x28: {  	_ = 	snop  }
0x29: {  	[tilespmem:s26], [sflag:$0x1] =	stream.indirect.gather [hbm4b:s6+s11], $0x40, s25, s11, $0xb8;
	[tilespmem:$0xFD40] =	vst v63  }
0x2a: {  	_ =	swait.ge [sflag:s28], $0x1900  }
0x2b: {  	[sflag:s28] =	ssyncset.done $0x0  }
0x2c: {  	[sflag:s28] =	ssyncadd.s32 $0xFFFFE700  }
0x2d: {  	_ =	swait.ge [sflag:s28], $0x1900  }
0x2e: {  	[sflag:s28] =	ssyncset.done $0x0  }
0x2f: {  	[sflag:s28] =	ssyncadd.s32 $0xFFFFE700  }
0x30: {  	_ =	swait.ge [sflag:s28], $0x1900  }
0x31: {  	[sflag:s28] =	ssyncset.done $0x0  }
0x32: {  	[sflag:s28] =	ssyncadd.s32 $0xFFFFE700  }
0x33: {  	_ =	swait.ge [sflag:s28], $0x1900  }
0x34: {  	[sflag:s28] =	ssyncset.done $0x0  }
0x35: {  	[sflag:s28] =	ssyncadd.s32 $0xFFFFE700  }
0x36: {  	_ =	swait.ge [sflag:s28], $0x1900  }
0x37: {  	[sflag:s28] =	ssyncset.done $0x0  }
0x38: {  	[sflag:s28] =	ssyncadd.s32 $0xFFFFE700  }
0x39: {  	_ =	swait.ge [sflag:s28], $0x1900  }
0x3a: {  	[sflag:s28] =	ssyncset.done $0x0  }
0x3b: {  	[sflag:s28] =	ssyncadd.s32 $0xFFFFE700  }
0x3c: {  	_ =	swait.ge [sflag:s28], $0x1900  }
0x3d: {  	[sflag:s28] =	ssyncset.done $0x0  }
0x3e: {  	[sflag:s28] =	ssyncadd.s32 $0xFFFFE700  }
0x3f: {  	_ =	swait.ge [sflag:s28], $0x1900  }
0x40: {  	[sflag:s28] =	ssyncset.done $0x0  }
0x41: {  	s0 =	simm.s32 $0x0;
	[sflag:s28] =	ssyncadd.s32 $0xFFFFE700  }
0x42: {  	v1 =	vld [tilespmem:s0+$0xCB40]  }
0x43: {  	v0 =	vld [tilespmem:s0+$0xCB50]  }
0x44: {  	v3 =	vld [tilespmem:s0+$0x340]  }
0x45: {  	v4 =	vld [tilespmem:s0+$0x350]  }
0x46: {  	s9 =	simm.s32 $0x100;
	s3 =	simm.s32 $0x0;
	v2 =	vld [tilespmem:s0+$0x360]  }
.LBB2_3:
0x47: {  	p0 =	sne.s32 s9, $0xC700;
	v5 =	vld [tilespmem:s3+$0x370]  }
0x48: {  	v6 =	vld [tilespmem:s3+$0xCB60]  }
0x49: {  	v3 =	vmul.f32 $8.000000000e+00, v3;
	v7 =	vld [tilespmem:s3+$0xCB70]  }
0x4a: {  	v4 =	vmul.f32 $8.000000000e+00, v4  }
0x4b: {  	s5 =	sshra.s32 s9, $0x2;
	v3 =	vadd.f32 v1, v3;
	v2 =	vmul.f32 $8.000000000e+00, v2  }
.Ltmp0:
0x4c: {  	v1 =	vld [tilespmem:s5+$0xCB40];
	v4 =	vadd.f32 v0, v4;
	v5 =	vmul.f32 $8.000000000e+00, v5;
	(pc) =	sbr.rel @p0 .LBB2_3-.Ltmp0, $4  }
0x4d: {  	v0 =	vld [tilespmem:s5+$0xCB50];
	[tilespmem:s3+$0x340] =	vst v3;
	v2 =	vadd.f32 v6, v2  }
0x4e: {  	v3 =	vld [tilespmem:s5+$0x340];
	[tilespmem:s3+$0x350] =	vst v4;
	v5 =	vadd.f32 v7, v5  }
0x4f: {  	v4 =	vld [tilespmem:s5+$0x350];
	[tilespmem:s3+$0x360] =	vst v2  }
0x50: {  	s9 =	sadd.s32 $0x100, s9;
	v2 =	vld [tilespmem:s5+$0x360];
	[tilespmem:s3+$0x370] =	vst v5;
	s3 =	smov.u32 s5  }
0x51: {  	v5 =	vld [tilespmem:s3+$0x370]  }
0x52: {  	v6 =	vld [tilespmem:s3+$0xCB60]  }
0x53: {  	v7 =	vld [tilespmem:s3+$0xCB70];
	v3 =	vmul.f32 $8.000000000e+00, v3  }
0x54: {  	v4 =	vmul.f32 $8.000000000e+00, v4  }
0x55: {  	v1 =	vadd.f32 v1, v3;
	v2 =	vmul.f32 $8.000000000e+00, v2  }
0x56: {  	v0 =	vadd.f32 v0, v4;
	v3 =	vmul.f32 $8.000000000e+00, v5  }
0x57: {  	[tilespmem:s3+$0x340] =	vst v1;
	v1 =	vadd.f32 v6, v2  }
0x58: {  	[tilespmem:s3+$0x350] =	vst v0;
	v0 =	vadd.f32 v7, v3  }
0x59: {  	[tilespmem:s3+$0x360] =	vst v1  }
0x5a: {  	[tilespmem:s3+$0x370] =	vst v0  }
0x5b: {  	v1 =	vld [tilespmem:s0+$0xCB40]  }
0x5c: {  	v0 =	vld [tilespmem:s0+$0xCB50]  }
0x5d: {  	v3 =	vld [tilespmem:s0+$0x3540]  }
0x5e: {  	v4 =	vld [tilespmem:s0+$0x3550]  }
0x5f: {  	s3 =	simm.s32 $0x100;
	v2 =	vld [tilespmem:s0+$0x3560]  }
.LBB2_5:
0x60: {  	p0 =	sne.s32 s3, $0xC700;
	v5 =	vld [tilespmem:s0+$0x3570]  }
0x61: {  	v6 =	vld [tilespmem:s0+$0xCB60]  }
0x62: {  	v3 =	vmul.f32 $8.000000000e+00, v3;
	v7 =	vld [tilespmem:s0+$0xCB70]  }
0x63: {  	v4 =	vmul.f32 $8.000000000e+00, v4  }
0x64: {  	s5 =	sshra.s32 s3, $0x2;
	v3 =	vadd.f32 v1, v3;
	v2 =	vmul.f32 $8.000000000e+00, v2  }
.Ltmp1:
0x65: {  	v1 =	vld [tilespmem:s5+$0xCB40];
	v4 =	vadd.f32 v0, v4;
	v5 =	vmul.f32 $8.000000000e+00, v5;
	(pc) =	sbr.rel @p0 .LBB2_5-.Ltmp1, $4  }
0x66: {  	v0 =	vld [tilespmem:s5+$0xCB50];
	[tilespmem:s0+$0x3540] =	vst v3;
	v2 =	vadd.f32 v6, v2  }
0x67: {  	v3 =	vld [tilespmem:s5+$0x3540];
	[tilespmem:s0+$0x3550] =	vst v4;
	v5 =	vadd.f32 v7, v5  }
0x68: {  	v4 =	vld [tilespmem:s5+$0x3550];
	[tilespmem:s0+$0x3560] =	vst v2  }
0x69: {  	s3 =	sadd.s32 $0x100, s3;
	v2 =	vld [tilespmem:s5+$0x3560];
	[tilespmem:s0+$0x3570] =	vst v5;
	s0 =	smov.u32 s5  }
0x6a: {  	v5 =	vld [tilespmem:s0+$0x3570]  }
0x6b: {  	v6 =	vld [tilespmem:s0+$0xCB60]  }
0x6c: {  	v7 =	vld [tilespmem:s0+$0xCB70];
	v3 =	vmul.f32 $8.000000000e+00, v3  }
0x6d: {  	v4 =	vmul.f32 $8.000000000e+00, v4  }
0x6e: {  	v1 =	vadd.f32 v1, v3;
	v2 =	vmul.f32 $8.000000000e+00, v2  }
0x6f: {  	v0 =	vadd.f32 v0, v4;
	v3 =	vmul.f32 $8.000000000e+00, v5  }
0x70: {  	[tilespmem:s0+$0x3540] =	vst v1;
	v1 =	vadd.f32 v6, v2  }
0x71: {  	[tilespmem:s0+$0x3550] =	vst v0;
	v0 =	vadd.f32 v7, v3  }
0x72: {  	[tilespmem:s0+$0x3560] =	vst v1  }
0x73: {  	[tilespmem:s0+$0x3570] =	vst v0;
	s0 =	simm.s32 $0x0  }
0x74: {  	v1 =	vld [tilespmem:s0+$0xCB40]  }
0x75: {  	v0 =	vld [tilespmem:s0+$0xCB50]  }
0x76: {  	v3 =	vld [tilespmem:s0+$0x6740]  }
0x77: {  	v4 =	vld [tilespmem:s0+$0x6750]  }
0x78: {  	s9 =	simm.s32 $0x100;
	s3 =	simm.s32 $0x0;
	v2 =	vld [tilespmem:s0+$0x6760]  }
.LBB2_7:
0x79: {  	p0 =	sne.s32 s9, $0xC700;
	v5 =	vld [tilespmem:s3+$0x6770]  }
0x7a: {  	v6 =	vld [tilespmem:s3+$0xCB60]  }
0x7b: {  	v3 =	vmul.f32 $8.000000000e+00, v3;
	v7 =	vld [tilespmem:s3+$0xCB70]  }
0x7c: {  	v4 =	vmul.f32 $8.000000000e+00, v4  }
0x7d: {  	s5 =	sshra.s32 s9, $0x2;
	v3 =	vadd.f32 v1, v3;
	v2 =	vmul.f32 $8.000000000e+00, v2  }
.Ltmp2:
0x7e: {  	v1 =	vld [tilespmem:s5+$0xCB40];
	v4 =	vadd.f32 v0, v4;
	v5 =	vmul.f32 $8.000000000e+00, v5;
	(pc) =	sbr.rel @p0 .LBB2_7-.Ltmp2, $4  }
0x7f: {  	v0 =	vld [tilespmem:s5+$0xCB50];
	[tilespmem:s3+$0x6740] =	vst v3;
	v2 =	vadd.f32 v6, v2  }
0x80: {  	v3 =	vld [tilespmem:s5+$0x6740];
	[tilespmem:s3+$0x6750] =	vst v4;
	v5 =	vadd.f32 v7, v5  }
0x81: {  	v4 =	vld [tilespmem:s5+$0x6750];
	[tilespmem:s3+$0x6760] =	vst v2  }
0x82: {  	s9 =	sadd.s32 $0x100, s9;
	v2 =	vld [tilespmem:s5+$0x6760];
	[tilespmem:s3+$0x6770] =	vst v5;
	s3 =	smov.u32 s5  }
0x83: {  	v5 =	vld [tilespmem:s3+$0x6770]  }
0x84: {  	v6 =	vld [tilespmem:s3+$0xCB60]  }
0x85: {  	v7 =	vld [tilespmem:s3+$0xCB70];
	v3 =	vmul.f32 $8.000000000e+00, v3  }
0x86: {  	v4 =	vmul.f32 $8.000000000e+00, v4  }
0x87: {  	v1 =	vadd.f32 v1, v3;
	v2 =	vmul.f32 $8.000000000e+00, v2  }
0x88: {  	v0 =	vadd.f32 v0, v4;
	v3 =	vmul.f32 $8.000000000e+00, v5  }
0x89: {  	[tilespmem:s3+$0x6740] =	vst v1;
	v1 =	vadd.f32 v6, v2  }
0x8a: {  	[tilespmem:s3+$0x6750] =	vst v0;
	v0 =	vadd.f32 v7, v3  }
0x8b: {  	[tilespmem:s3+$0x6760] =	vst v1  }
0x8c: {  	[tilespmem:s3+$0x6770] =	vst v0  }
0x8d: {  	v1 =	vld [tilespmem:s0+$0xCB40]  }
0x8e: {  	v0 =	vld [tilespmem:s0+$0xCB50]  }
0x8f: {  	v3 =	vld [tilespmem:s0+$0x9940]  }
0x90: {  	v4 =	vld [tilespmem:s0+$0x9950]  }
0x91: {  	s3 =	simm.s32 $0x100;
	v2 =	vld [tilespmem:s0+$0x9960]  }
.LBB2_9:
0x92: {  	p0 =	sne.s32 s3, $0xC700;
	v5 =	vld [tilespmem:s0+$0x9970]  }
0x93: {  	v6 =	vld [tilespmem:s0+$0xCB60]  }
0x94: {  	v3 =	vmul.f32 $8.000000000e+00, v3;
	v7 =	vld [tilespmem:s0+$0xCB70]  }
0x95: {  	v4 =	vmul.f32 $8.000000000e+00, v4  }
0x96: {  	s5 =	sshra.s32 s3, $0x2;
	v3 =	vadd.f32 v1, v3;
	v2 =	vmul.f32 $8.000000000e+00, v2  }
.Ltmp3:
0x97: {  	v1 =	vld [tilespmem:s5+$0xCB40];
	v4 =	vadd.f32 v0, v4;
	v5 =	vmul.f32 $8.000000000e+00, v5;
	(pc) =	sbr.rel @p0 .LBB2_9-.Ltmp3, $4  }
0x98: {  	v0 =	vld [tilespmem:s5+$0xCB50];
	[tilespmem:s0+$0x9940] =	vst v3;
	v2 =	vadd.f32 v6, v2  }
0x99: {  	v3 =	vld [tilespmem:s5+$0x9940];
	[tilespmem:s0+$0x9950] =	vst v4;
	v5 =	vadd.f32 v7, v5  }
0x9a: {  	v4 =	vld [tilespmem:s5+$0x9950];
	[tilespmem:s0+$0x9960] =	vst v2  }
0x9b: {  	s3 =	sadd.s32 $0x100, s3;
	v2 =	vld [tilespmem:s5+$0x9960];
	[tilespmem:s0+$0x9970] =	vst v5;
	s0 =	smov.u32 s5  }
0x9c: {  	v5 =	vld [tilespmem:s0+$0x9970]  }
0x9d: {  	v6 =	vld [tilespmem:s0+$0xCB60]  }
0x9e: {  	v7 =	vld [tilespmem:s0+$0xCB70];
	v3 =	vmul.f32 $8.000000000e+00, v3  }
0x9f: {  	v4 =	vmul.f32 $8.000000000e+00, v4  }
0xa0: {  	v1 =	vadd.f32 v1, v3;
	v2 =	vmul.f32 $8.000000000e+00, v2  }
0xa1: {  	v0 =	vadd.f32 v0, v4;
	v61 =	vmul.f32 $8.000000000e+00, v5  }
0xa2: {  	[tilespmem:s0+$0x9940] =	vst v1;
	v62 =	vadd.f32 v6, v2  }
0xa3: {  	s3 =	smul.u32 $0x1900, s31;
	s30 =	sadd.s32 $0x1, s30;
	[tilespmem:s0+$0x9950] =	vst v0;
	v63 =	vadd.f32 v7, v61  }
0xa4: {  	p0 =	sne.s32 s30, $0x20;
	[tilespmem:s0+$0x9960] =	vst v62  }
.Ltmp4:
0xa5: {  	s31 =	sadd.s32 s1, s3;
	[tilespmem:s0+$0x9970] =	vst v63;
	(pc) =	sbr.rel @p0 .LBB2_2-.Ltmp4, $4  }
0xa6: {  	[hbm4b:s31+s2] =	stream.linear.scatter [tilespmem:s12], [sflag:$0x2], $0xC800, $0x38;
	[tilespmem:$0xFD40] =	vst v63  }
0xa7: {  	_ =	swait.ge [sflag:s10], $0xC800  }
0xa8: {  	[sflag:s10] =	ssyncset.done $0x0  }
0xa9: {  	[sflag:s10] =	ssyncadd.s32 $0xFFFF3800  }
0xaa: {  	s29 =	sadd.s32 $0x1, s29  }
0xab: {  	p0 =	sne.s32 s29, s8  }
.Ltmp5:
0xac: {  	_ = 	snop;
	(pc) =	sbr.rel @p0 .LBB2_1-.Ltmp5, $1  }
0xad: {  	_ =	sdelay $0x3  }
0xae: {  	_ =	sfence.sel $0x180000  }
0xaf: {  	[bflag:$0x0] =	sbarrier.arrive $0xFFFF  }
0xb0: {  	_ =	strace $0x90000047  }
0xb1: {  	s0 =	stileid.u32;
	[bflag:$0x2] =	sbarrier.arrive $0xFFFF  }
0xb2: {  	p0 =	sne.s32 s0, $0x0;
	s0 =	rddreg [dreg:$0x2]  }
0xb3: {  	s0 =	sadd.s32 @!p0 $0x100000, s0  }
0xb4: {  	[sflag:s0] =	ssyncadd.tile.s32 @!p0 $0x1;
	_ =	shalt  }
.Lfunc_end2:
_tile_overlayer_lowered:
.L_overlay_start_2:
0xb5: {  	(tag) =	ssettag $0x2  }
0xb6: {  	s0 =	rddreg [dreg:$0x0];
	s2 =	stileid.u32  }
0xb7: {  	s1 =	rddreg [dreg:$0x1];
	p0 =	sne.s32 s2, $0x0  }
0xb8: {  	s3 =	rddreg [dreg:$0x2];
	[bflag:$0x3] =	sbarrier.arrive $0xFFFF;
	s2 =	simm.s32 @!p0 $0x1C02  }
0xb9: {  	[timem:s3], [sflag:s2] =	dma.local @!p0 [hbm:s0], s1  }
0xba: {  	s0 =	simm.s32 @!p0 $0x2  }
0xbb: {  	_ =	swait.ge @!p0 [sflag:s0], s1  }
0xbc: {  	s1 =	ssub.s32 @!p0 $0x0, s1;
	[sflag:s0] =	ssyncset.done @!p0 $0x0  }
0xbd: {  	[sflag:s0] =	ssyncadd.s32 @!p0 s1  }
0xbe: {  	[bflag:$0x3] =	sbarrier.arrive $0xFFFF  }
0xbf: {  	_ =	shalt  }

// kernel: sparse-core-data-format-call.cloned.1.call-start
scs
called_computation_lowered:
.L_overlay_start_0:
0x0: {  	s2 =	sld [smem:$0x3FD9]  }
0x1: {  	s3 =	sld [smem:$0x3FFE];
	_ =	sdelay $0x1  }
0x2: {  	s1 =	srdreg.scid  }
0x3: {  	s0 =	sand.u32 $0x1, s1  }
0x4: {  	s18 =	sshll.u32 s0, $0xA;
	s2 =	sadd.s32 s3, s2  }
0x5: {  	s2 =	sadd.s32 s2, s18  }
0x6: {  	[smem:$0x3FC4] =	sst s2  }
0x7: {  	_ = 	snop  }
0x8: {  	s2 =	sld [smem:$0x3FD0];
	(tm) =	ssettm $0x1  }
0x9: {  	s19 =	sld [smem:$0x3FFB];
	_ =	sdelay $0x3  }
0xa: {  	_ =	strace s19  }
0xb: {  	s3 =	sld [smem:$0x3FFC];
	_ =	sdelay $0x3  }
0xc: {  	_ =	strace s3  }
0xd: {  	s3 =	sld [smem:$0x3FFD];
	_ =	sdelay $0x3  }
0xe: {  	_ =	strace s3  }
0xf: {  	_ =	strace $0x8FFFFFFF  }
0x10: {  	s20 =	sld [smem:$0x3FDB];
	_ =	sdelay $0x1  }
0x11: {  	s4 =	simm.s32 $_scs_section_size  }
0x12: {  	s5 =	simm.s32 $_size__tile_overlayer_lowered;
	s6 =	simm.s32 $_tile_overlayer_lowered  }
0x13: {  	s23 =	simm.s32 $0x1BFF;
	s22 =	sshll.u32 s6, $0x1;
	s3 =	sadd.s32 s4, s20  }
0x14: {  	s7 =	simm.s32 $0x0;
	s21 =	sshll.u32 s5, $0x1;
	s5 =	sadd.s32 s22, s3  }
0x15: {  	[timem:s7], [sflag:s23] =	dma.local [hbm:s5], s21  }
0x16: {  	_ =	swait.ge [sflag:s23], s21  }
0x17: {  	s4 =	ssub.s32 $0x0, s21;
	[sflag:s23] =	ssyncset.done $0x0  }
0x18: {  	[sflag:s23] =	ssyncadd.s32 s4;
	_ =	sdelay $0x1  }
0x19: {  	s24 =	simm.s32 $0x1B8B  }
0x1a: {  	_ =	swait.ge [sflag:s24], $0x1  }
0x1b: {  	[sflag:s24] =	ssyncset.done $0x0  }
0x1c: {  	s26 =	simm.s32 $0x1B8E;
	s25 =	sld [smem:$0x3FFE];
	[sflag:s24] =	ssyncadd.s32 $0xFFFFFFFF  }
0x1d: {  	s27 =	simm.s32 $execute0_lowered;
	[smem:$0x3FD2] =	sst s26  }
0x1e: {  	s5 =	sshll.u32 s27, $0x1;
	_ =	strace $0x80000049;
	[dreg:$0x1] =	wrdreg $0xFFFFFFFF  }
0x1f: {  	s28 =	simm.s32 $_size_execute0_lowered;
	s3 =	sadd.s32 s3, s5;
	[dreg:$0x0] =	wrdreg $0x0  }
0x20: {  	s5 =	sshll.u32 s28, $0x1;
	[dreg:$0x2] =	wrdreg s3  }
0x21: {  	[dreg:$0x3] =	wrdreg s5  }
0x22: {  	[dreg:$0x4] =	wrdreg $0xC0  }
0x23: {  	_ =	task [dreg:s7], $0x5FFFF  }
0x24: {  	[dreg:$0x1] =	wrdreg $0xFFFFFFFF  }
0x25: {  	[dreg:$0x0] =	wrdreg $0x60  }
0x26: {  	[dreg:$0x2] =	wrdreg s25  }
0x27: {  	[dreg:$0x3] =	wrdreg s2  }
0x28: {  	[dreg:$0x4] =	wrdreg $0x9  }
0x29: {  	_ =	task.clear_ibuf [dreg:s7], $0x5FFFF;
	_ =	strace $0x90000049  }
0x2a: {  	s29 =	simm.s32 $0x9;
	_ =	strace $0x8000004B  }
0x2b: {  	_ =	swait.ge [sflag:s29], $0x1  }
0x2c: {  	[sflag:s29] =	ssyncadd.s32 $0xFFFFFFFF  }
0x2d: {  	_ =	strace $0x9000004B  }
0x2e: {  	_ =	sfence  }
0x2f: {  	s30 =	sld [smem:$0x0];
	_ =	sdelay $0x2  }
0x30: {  	s31 =	sshll.u32 s1, $0xD;
	s1 =	sshrl.u32 s1, $0x2  }
0x31: {  	s3 =	sand.u32 $0x4000, s31;
	s1 =	sadd.s32 s1, s30  }
0x32: {  	s0 =	sor.u32 s3, s0;
	s1 =	sshll.u32 s1, $0x11  }
0x33: {  	s0 =	sor.u32 s1, s0  }
0x34: {  	s0 =	sadd.s32 $0x8F2B, s0  }
0x35: {  	[sflag:s0] =	ssyncadd.remote.s32 $0x1  }
0x36: {  	_ =	sfence.sel $0xFFFF  }
0x37: {  	[dreg:$0x0] =	wrdreg $0xFFFFFFFF;
	(pc) =	sbr.abs _section_cstart, $3  }
0x38: {  	[dreg:$0x1] =	wrdreg $0xFFFFFFFF  }
0x39: {  	_ =	task.clear_ibuf [dreg:s7], $0x2FFFF;
	_ =	strace $0x9FFFFFFF  }
0x3a: {  	(tm) =	ssettm $0x7FFFFFFF  }
0x3b: {  	_ =	shalt  }
tec
execute0_lowered:
.L_overlay_start_1:
0x0: {  	(tag) =	ssettag $0x1  }
0x1: {  	s0 =	srdreg.scid  }
0x2: {  	s1 =	sshll.u32 s0, $0x4  }
0x3: {  	s0 =	stileid.u32;
	s1 =	sand.u32 $0x10, s1  }
0x4: {  	s1 =	sor.u32 s0, s1  }
0x5: {  	s6 =	rddreg [dreg:$0x0];
	s4 =	simm.s32 $0x1;
	s2 =	sshll.u32 s1, $0x7  }
0x6: {  	s7 =	simm.s32 $0x2;
	s12 =	simm.s32 $0x0;
	s1 =	ssub.s32 $0x1000, s2  }
0x7: {  	s8 =	simm.s32 $0x8000;
	s13 =	simm.s32 $0x0;
	s3 =	sand.u32 $0xF80, s1  }
0x8: {  	s9 =	simm.s32 $0x0;
	s5 =	sshrl.u32 s1, $0xC;
	p0 =	sne.s32 s3, $0x0  }
.Ltmp0:
0x9: {  	s1 =	rddreg [dreg:$0x2];
	s4 =	simm.s32 @!p0 $0x0;
	(pc) =	sbr.rel .LBB1_1-.Ltmp0, $4  }
0xa: {  	s11 =	simm.s32 $0x0;
	s3 =	rddreg [dreg:$0x1];
	s5 =	sadd.s32 s4, s5  }
0xb: {  	_ =	strace $0x8000004A;
	s4 =	simm.s32 $0x1;
	s5 =	smul.u32 $0xC8, s5  }
0xc: {  	s6 =	sadd.s32 $0xC00, s6;
	s10 =	smov.u32 s2;
	[sflag:s4] =	ssyncpa.u1 $0x0  }
0xd: {  	p0 =	por $0x0, $0x0;
	[sflag:s7] =	ssyncpa.u1 $0x0;
	s7 =	sor.u32 $0x1, s5  }
.LBB1_4:
0xe: {  	s16 =	sshll.u32 s13, $0x3;
	s17 =	sand.u32 $0x78, s13  }
0xf: {  	s30 =	sand.u32 $0x7E00, s13;
	s12 =	sshll.u32 s12, $0xF;
	s16 =	sand.u32 $0xC00, s16  }
0x10: {  	[tilespmem:s15+$0x810 ss:$0x81] =	vst.msk $0xffff, v2;
	s31 =	sand.u32 $0x7, s13;
	s16 =	sor.u32 s17, s16;
	s17 =	sadd.s32 s3, s30  }
0x11: {  	[tilespmem:s15+$0x1020 ss:$0x81] =	vst.msk $0xffff, v0;
	s13 =	sshll.u32 s31, $0x12;
	s12 =	sadd.s32 s12, s17;
	s16 =	sshrl.u32 s16, $0x3  }
0x12: {  	[tilespmem:s15+$0x0 ss:$0x81] =	vst.msk $0xffff, v1;
	s13 =	sor.u32 $0x400, s13;
	s12 =	sadd.s32 s16, s12  }
0x13: {  	[hbm4b:s12+s13] =	stream.strided.scatter [tilespmem:s14], [sflag:$0x2], $0x2000, s8, s13, $0x20;
	[tilespmem:$0x8080] =	vst v63  }
.LBB1_5:
0x14: {  	s14 =	sadd.s32 $0x1, s9  }
0x15: {  	s12 =	sadd.s32 $0x1000, s10;
	s16 =	smov.u32 s10;
	p2 =	sgt.s32 s14, $0xC7  }
0x16: {  	s16 =	smov.u32 @p2 s12  }
0x17: {  	s14 =	simm.s32 @p2 $0x0;
	p2 =	sgt.s32 s16, $0xFFF  }
0x18: {  	s16 =	smov.u32 @p2 s2;
	p2 =	sne.s32 s11, s7  }
.Ltmp1:
0x19: {  	p1 =	slt.u32 s11, $0x2;
	(pc) =	sbr.rel @!p2 .LBB1_6-.Ltmp1, $4  }
0x1a: {  	s15 =	simm.s32 @!p1 $0x2  }
0x1b: {  	s13 =	smov.u32 s10;
	p0 =	por !p0, !p0;
	_ =	swait.ge @!p1 [sflag:s15], $0x2000  }
0x1c: {  	s12 =	smov.u32 s9;
	[sflag:s15] =	ssyncset.done @!p1 $0x0;
	s9 =	smov.u32 s14  }
0x1d: {  	s11 =	sadd.s32 $0x1, s11;
	[sflag:s15] =	ssyncadd.s32 @!p1 $0xFFFFE000;
	s10 =	smov.u32 s16  }
.LBB1_1:
0x1e: {  	p1 =	sge.u32 s11, s5  }
0x1f: {  	s14 =	sand.u32 @!p1 $0x1FFFFFF, s9  }
0x20: {  	s15 =	smulhi.u32 @!p1 $0x147AE15, s14;
	_ =	sdelay $0x1  }
0x21: {  	s15 =	smul.u32 @!p1 $0xC8, s15  }
0x22: {  	s16 =	sxor.u32 @!p1 $0xFFFFFFFF, s11;
	s17 =	smul.u32 @!p1 $0xC80, s10  }
0x23: {  	s31 =	sadd.s32 $0xFFFFFFFF, s11;
	s16 =	sshll.u32 @!p1 s16, $0xD;
	s14 =	ssub.s32 @!p1 s14, s15  }
0x24: {  	s15 =	sand.u32 @!p1 $0x2000, s16;
	s16 =	sadd.s32 @!p1 s6, s17;
	s14 =	sshll.u32 @!p1 s14, $0x4  }
0x25: {  	s17 =	simm.s32 @!p1 $0x6400;
	s14 =	sadd.s32 @!p1 s14, s16;
	s16 =	simm.s32 @!p1 $0x40  }
0x26: {  	[tilespmem:s15], [sflag:$0x1] =	stream.strided.gather @!p1 [hbm4b:s14+s16], $0x2000, s17, s16, $0x38;
	[tilespmem:$0x8080] =	vst v63  }
0x27: {  	p1 =	sge.u32 s31, s5  }
.Ltmp2:
0x28: {  	_ = 	snop;
	(pc) =	sbr.rel @p1 .LBB1_5-.Ltmp2, $1  }
0x29: {  	_ =	sdelay $0x3  }
0x2a: {  	s14 =	simm.s32 $0x1  }
0x2b: {  	_ =	swait.ge [sflag:s4], $0x2000;
	s14 =	simm.s32 @!p0 $0x0  }
0x2c: {  	[sflag:s4] =	ssyncset.done $0x0;
	s15 =	sshll.u32 s14, $0xD  }
0x2d: {  	[sflag:s4] =	ssyncadd.s32 $0xFFFFE000;
	s18 =	sor.u32 $0x20, s15  }
0x2e: {  	s14 =	smul.u32 $0x8100, s14;
	v3 =	vld [tilespmem:s18+$0x10]  }
0x2f: {  	s30 =	sand.u32 $0x1, s11;
	v2 =	vld [tilespmem:s18+$0xFFFFFFF0]  }
0x30: {  	s15 =	smul.u32 $0x8100, s30;
	s14 =	sshrl.u32 s14, $0x2;
	v0 =	vld [tilespmem:s18+$0x0]  }
0x31: {  	v1 =	vld [tilespmem:s18+$0xFFFFFFE0];
	s16 =	sor.u32 $0x4000, s14  }
0x32: {  	s31 =	sshrl.u32 s15, $0x2;
	s15 =	sadd.s32 $0x0, s16  }
0x33: {  	s17 =	simm.s32 $0x4;
	s18 =	sadd.s32 $0x40, s18;
	s14 =	sor.u32 $0x4000, s31;
	[tilespmem:s15+$0x1830 ss:$0x81] =	vst.msk $0xffff, v3  }
.LBB1_3:
0x34: {  	v3 =	vld [tilespmem:s18+$0x10];
	p1 =	sne.s32 s17, $0x1FC;
	[tilespmem:s15+$0x810 ss:$0x81] =	vst.msk $0xffff, v2;
	s19 =	smov.u32 s17;
	s17 =	sadd.s32 $0x4, s17  }
.Ltmp3:
0x35: {  	v2 =	vld [tilespmem:s18+$0xFFFFFFF0];
	[tilespmem:s15+$0x1020 ss:$0x81] =	vst.msk $0xffff, v0;
	(pc) =	sbr.rel @p1 .LBB1_3-.Ltmp3, $4  }
0x36: {  	v0 =	vld [tilespmem:s18+$0x0];
	[tilespmem:s15+$0x0 ss:$0x81] =	vst.msk $0xffff, v1  }
0x37: {  	s15 =	sshra.s32 s19, $0x2;
	v1 =	vld [tilespmem:s18+$0xFFFFFFE0]  }
0x38: {  	s15 =	sadd.s32 s15, s16  }
0x39: {  	s18 =	sadd.s32 $0x40, s18;
	[tilespmem:s15+$0x1830 ss:$0x81] =	vst.msk $0xffff, v3  }
.Ltmp4:
0x3a: {  	_ = 	snop;
	(pc) =	sbr.rel .LBB1_4-.Ltmp4, $1  }
0x3b: {  	_ =	sdelay $0x3  }
.LBB1_6:
0x3c: {  	_ =	sfence.sel $0x180000  }
0x3d: {  	s2 =	simm.s32 $0x1;
	[bflag:$0x0] =	sbarrier.arrive $0xFFFF  }
0x3e: {  	s31 =	simm.s32 $0x2;
	[sflag:s2] =	ssyncpa.u1 $0x1  }
0x3f: {  	[sflag:s31] =	ssyncpa.u1 $0x1  }
0x40: {  	p0 =	sne.s32 s0, $0x0;
	_ =	strace $0x9000004A  }
0x41: {  	s0 =	sadd.s32 @!p0 $0x100000, s1;
	[bflag:$0x2] =	sbarrier.arrive $0xFFFF  }
0x42: {  	[sflag:s0] =	ssyncadd.tile.s32 @!p0 $0x1;
	_ =	shalt  }
.Lfunc_end1:
_tile_overlayer_lowered:
.L_overlay_start_2:
0x43: {  	(tag) =	ssettag $0x2  }
0x44: {  	s0 =	rddreg [dreg:$0x0];
	s2 =	stileid.u32  }
0x45: {  	s1 =	rddreg [dreg:$0x1];
	p0 =	sne.s32 s2, $0x0  }
0x46: {  	s3 =	rddreg [dreg:$0x2];
	[bflag:$0x3] =	sbarrier.arrive $0xFFFF;
	s2 =	simm.s32 @!p0 $0x1C01  }
0x47: {  	[timem:s3], [sflag:s2] =	dma.local @!p0 [hbm:s0], s1  }
0x48: {  	s0 =	simm.s32 @!p0 $0x1  }
0x49: {  	_ =	swait.ge @!p0 [sflag:s0], s1  }
0x4a: {  	s1 =	ssub.s32 @!p0 $0x0, s1;
	[sflag:s0] =	ssyncset.done @!p0 $0x0  }
0x4b: {  	[sflag:s0] =	ssyncadd.s32 @!p0 s1  }
0x4c: {  	[bflag:$0x3] =	sbarrier.arrive $0xFFFF  }
0x4d: {  	_ =	shalt  }

</sc_bundles>
